<compile_context>
chip_gen: v7x
topology: tpu7x:2x2x1
jax: 0.10.2.dev20260603
libtpu: 0.0.44.dev20260713+nightly
codegen_flags: <defaults>
</compile_context>

<pallas_src>
import functools

import jax
import jax.numpy as jnp
from jax import lax
from jax.experimental import pallas as pl
from jax.experimental.pallas import tpu as pltpu
from jax.experimental.pallas import tpu_sc as plsc

N = 10000
C = 128
NPAD = 10240
NC, NS = 2, 16
NW = NC * NS
EB = 128
NB = 82
SEG = NB // 2
CHUNK = NB * EB
EPAD = NW * CHUNK
RPW = NPAD // NS
RB = 10
R = N // RB

_mesh = plsc.VectorSubcoreMesh(core_axis_name="c", subcore_axis_name="s")


@functools.partial(
    pl.kernel,
    out_type=jax.ShapeDtypeStruct((NC, NPAD), jnp.float32),
    mesh=_mesh,
    compiler_params=pltpu.CompilerParams(needs_layout_passes=False),
    scratch_types=[
        pltpu.VMEM((CHUNK,), jnp.int32),
        pltpu.VMEM((NPAD,), jnp.float32),
        pltpu.VMEM((NS, RPW), jnp.float32),
        pltpu.VMEM((RPW,), jnp.float32),
        pltpu.VMEM_SHARED((NS, NPAD), jnp.float32),
    ],
)
def _deg_kernel(dst_hbm, degp_hbm, idx_v, acc_v, tmp_v, outb_v, shared):
    c = lax.axis_index("c")
    s = lax.axis_index("s")
    w = c * NS + s
    zero16 = jnp.zeros((16,), jnp.float32)
    ones16 = jnp.ones((16,), jnp.float32)

    def _zero(i, carry):
        acc_v[pl.ds(i * 16, 16)] = zero16
        return carry

    lax.fori_loop(0, NPAD // 16, _zero, 0)

    pltpu.sync_copy(dst_hbm.at[pl.ds(w * CHUNK, CHUNK)], idx_v)

    def _hist(i, carry):
        idx = idx_v[pl.ds(i * 16, 16)]
        plsc.addupdate_scatter(acc_v, [idx], ones16)
        return carry

    lax.fori_loop(0, CHUNK // 16, _hist, 0)

    pltpu.sync_copy(acc_v, shared.at[s])
    plsc.subcore_barrier()

    pltpu.sync_copy(shared.at[:, pl.ds(s * RPW, RPW)], tmp_v)

    def _comb(j, carry):
        v = tmp_v[0, pl.ds(j * 16, 16)]
        for p in range(1, NS):
            v = v + tmp_v[p, pl.ds(j * 16, 16)]
        outb_v[pl.ds(j * 16, 16)] = v
        return carry

    lax.fori_loop(0, RPW // 16, _comb, 0)
    pltpu.sync_copy(outb_v, degp_hbm.at[c, pl.ds(s * RPW, RPW)])


@functools.partial(
    pl.kernel,
    out_type=jax.ShapeDtypeStruct((NC, NPAD, C), jnp.float32),
    mesh=_mesh,
    scratch_types=[
        pltpu.VMEM((SEG, EB), jnp.int32),
        pltpu.VMEM((SEG, EB), jnp.int32),
        pltpu.VMEM((EB, C), jnp.float32),
        pltpu.VMEM((EB, C), jnp.float32),
        pltpu.VMEM_SHARED((NPAD, C), jnp.float32),
        pltpu.SemaphoreType.DMA,
    ],
)
def _agg_kernel(src_hbm, dst_hbm, h2_hbm, out_hbm,
                srcb, dstb, rows0, rows1, acc_sh, sem):
    c = lax.axis_index("c")
    s = lax.axis_index("s")
    w = c * NS + s
    zero16 = jnp.zeros((16,), jnp.float32)

    def _zrow(i, carry):
        for j in range(C // 16):
            rows0[i, pl.ds(j * 16, 16)] = zero16
        return carry

    lax.fori_loop(0, EB, _zrow, 0)
    for t in range(RPW // EB):
        pltpu.sync_copy(rows0, acc_sh.at[pl.ds(s * RPW + t * EB, EB)])
    plsc.subcore_barrier()

    for seg in range(NB // SEG):
        pltpu.sync_copy(src_hbm.at[w, seg], srcb)
        pltpu.sync_copy(dst_hbm.at[w, seg], dstb)
        pltpu.async_copy(h2_hbm.at[srcb.at[0]], rows0, sem)

        def _blk(i, carry):
            g = 2 * i
            pltpu.make_async_copy(h2_hbm.at[srcb.at[g]], rows0, sem).wait()
            pltpu.async_copy(h2_hbm.at[srcb.at[g + 1]], rows1, sem)
            pltpu.sync_copy(rows0, acc_sh.at[dstb.at[g]], add=True)
            pltpu.make_async_copy(h2_hbm.at[srcb.at[g + 1]], rows1, sem).wait()

            @pl.when(g + 2 < SEG)
            def _():
                pltpu.async_copy(h2_hbm.at[srcb.at[g + 2]], rows0, sem)

            pltpu.sync_copy(rows1, acc_sh.at[dstb.at[g + 1]], add=True)
            return carry

        lax.fori_loop(0, SEG // 2, _blk, 0)
        pltpu.make_async_copy(h2_hbm.at[srcb.at[SEG - 1]], rows0, sem).wait()
        pltpu.sync_copy(rows0, acc_sh.at[dstb.at[SEG - 1]], add=True)
    plsc.subcore_barrier()

    pltpu.sync_copy(acc_sh.at[pl.ds(s * RPW, RPW)],
                    out_hbm.at[c, pl.ds(s * RPW, RPW)])


def _mm_body(x_ref, w_ref, dp_ref, h2_ref):
    deg = dp_ref[0] + dp_ref[1]
    dinv = lax.rsqrt(jnp.maximum(deg, 1e-12))
    h = lax.dot_general(x_ref[...], w_ref[...], (((1,), (1,)), ((), ())),
                        preferred_element_type=jnp.float32)
    h2_ref[...] = h * dinv


def _mm(x, W, degp):
    return pl.pallas_call(
        _mm_body,
        grid=(RB,),
        in_specs=[
            pl.BlockSpec((R, C), lambda i: (i, 0)),
            pl.BlockSpec((C, C), lambda i: (0, 0)),
            pl.BlockSpec((NC, R, 1), lambda i: (0, i, 0)),
        ],
        out_specs=pl.BlockSpec((R, C), lambda i: (i, 0)),
        out_shape=jax.ShapeDtypeStruct((N, C), jnp.float32),
    )(x, W, degp)


def _fin_body(p_ref, dp_ref, b_ref, o_ref):
    deg = dp_ref[0] + dp_ref[1]
    dinv = lax.rsqrt(jnp.maximum(deg, 1e-12))
    acc = p_ref[0] + p_ref[1]
    o_ref[...] = dinv * acc + b_ref[...][None, :]


def _fin(partials, degp, b):
    return pl.pallas_call(
        _fin_body,
        grid=(RB,),
        in_specs=[
            pl.BlockSpec((NC, R, C), lambda i: (0, i, 0)),
            pl.BlockSpec((NC, R, 1), lambda i: (0, i, 0)),
            pl.BlockSpec((C,), lambda i: (0,)),
        ],
        out_specs=pl.BlockSpec((R, C), lambda i: (i, 0)),
        out_shape=jax.ShapeDtypeStruct((N, C), jnp.float32),
    )(partials, degp, b)


def kernel(x, edge_index, W, b):
    ei = edge_index.astype(jnp.int32)
    loop = jnp.arange(N, dtype=jnp.int32)
    pad_ar = jnp.arange(EPAD - ei.shape[1] - N, dtype=jnp.int32)
    pad_src = (pad_ar * 97) % N
    pad_dst = N + pad_ar % (NPAD - N)
    src = jnp.concatenate([ei[0], loop, pad_src])
    dst = jnp.concatenate([ei[1], loop, pad_dst])
    src3 = src.reshape(NW, NB // SEG, SEG, EB)
    dst3 = dst.reshape(NW, NB // SEG, SEG, EB)

    degp = _deg_kernel(dst).reshape(NC, NPAD, 1)
    h2 = _mm(x, W, degp)
    partials = _agg_kernel(src3, dst3, h2)
    return _fin(partials, degp, b)

# --- scband reference (transcript-rebuilt; emitter-appended) ---
"""Pipeline reference for scband-gcnconv-54743653155383 (READ-ONLY COPY).

The authoritative reference and input builder live on the scoring server;
editing this copy changes nothing except your own understanding.
"""

import jax, jax.numpy as jnp
import numpy as np

N_NODES = 10000
N_EDGES = 320000
IN_C = 128
OUT_C = 128

def setup_inputs(seed: int = 0) -> dict:
    key = jax.random.key(seed)
    k1, k2, k3, k4 = jax.random.split(key, 4)
    x = jax.random.normal(k1, (N_NODES, IN_C), dtype=jnp.float32)
    edge_index = jax.random.randint(k2, (2, N_EDGES), 0, N_NODES, dtype=jnp.int64)
    # Learned params: PyG GCNConv uses Linear(in, out, bias=False) with weight [out, in]
    # plus a separate bias [out] (bias=not homogeneous_flag -> True).
    glorot = float(np.sqrt(6.0 / (IN_C + OUT_C)))
    W = jax.random.uniform(k3, (OUT_C, IN_C), dtype=jnp.float32, minval=-glorot, maxval=glorot)
    b = jnp.zeros((OUT_C,), dtype=jnp.float32)
    return {"x": x, "edge_index": edge_index, "W": W, "b": b}

def reference(x, edge_index, W, b):
    # Faithful GCNConv: add self-loops, symmetric deg^{-1/2} normalization,
    # linear transform, scatter-add message passing, bias.
    N = x.shape[0]
    src = edge_index[0]
    dst = edge_index[1]
    loop = jnp.arange(N, dtype=edge_index.dtype)
    src = jnp.concatenate([src, loop], axis=0)
    dst = jnp.concatenate([dst, loop], axis=0)
    # degree computed on destination nodes (source_to_target flow)
    deg = jnp.zeros((N,), dtype=x.dtype).at[dst].add(1.0)
    deg_inv_sqrt = jnp.where(deg > 0, jax.lax.rsqrt(jnp.maximum(deg, 1e-12)), 0.0)
    norm = deg_inv_sqrt[src] * deg_inv_sqrt[dst]
    h = x @ W.T
    msgs = h[src] * norm[:, None]
    out = jnp.zeros((N, W.shape[0]), dtype=x.dtype).at[dst].add(msgs)
    return out + b

if False:  # reference __main__ guard neutralized (emitter)
    inp = setup_inputs()
    out = reference(**inp)
    print(out.shape, out.dtype)

if __name__ == "__main__":
    import jax
    _d = setup_inputs()
    print(jax.jit(kernel)(*tuple(_d.values())))

</pallas_src>

<mosaic_0001>
#map = affine_map<(d0, d1) -> (0)>
#map1 = affine_map<(d0, d1) -> (0, 0)>
module attributes {stable_mosaic.version = 14 : i64} {
  func.func @_deg_kernel(%arg0: i32, %arg1: i32, %arg2: memref<335872xi32, #tpu.memory_space<hbm>>, %arg3: memref<2x10240xf32, #tpu.memory_space<hbm>>, %arg4: memref<10496xi32, #tpu.memory_space<vmem>>, %arg5: memref<10240xf32, #tpu.memory_space<vmem>>, %arg6: memref<16x640xf32, #tpu.memory_space<vmem>>, %arg7: memref<640xf32, #tpu.memory_space<vmem>>, %arg8: memref<16x10240xf32, #tpu.memory_space<vmem_shared>>) attributes {dimension_semantics = [#tpu.dimension_semantics<core_parallel>, #tpu.dimension_semantics<subcore_parallel>], iteration_bounds = array<i64: 2, 16>, scalar_prefetch = 0 : i64, scratch_operands = 5 : i64, tpu.core_type = #tpu.core_type<sc_vector_subcore>, window_params = [{transform_indices = #map}, {transform_indices = #map1}]} {
    %mul3A = arith.constant 16 : i32
    %mul3A_0 = arith.muli %arg0, %mul3A : i32
    %add3A = arith.addi %mul3A_0, %arg1 : i32
    %broadcast_in_dim3A = arith.constant 0.000000e+00 : f32
    %broadcast_in_dim3A_1 = vector.broadcast %broadcast_in_dim3A : f32 to vector<16xf32>
    %broadcast_in_dim3A_2 = arith.constant 1.000000e+00 : f32
    %broadcast_in_dim3A_3 = vector.broadcast %broadcast_in_dim3A_2 : f32 to vector<16xf32>
    %scan3A = arith.constant 0 : i32
    %scan3A_4 = arith.constant 0 : i32
    %scan3A_5 = arith.constant 640 : i32
    %scan3A_6 = arith.addi %scan3A_4, %scan3A_5 : i32
    %scan3A_7 = arith.constant 1 : i32
    scf.for %scan3A_27 = %scan3A_4 to %scan3A_6 step %scan3A_7  : i32 {
      %mul3A_28 = arith.constant 16 : i32
      %mul3A_29 = arith.muli %scan3A_27, %mul3A_28 : i32
      %swap3A = arith.index_cast %mul3A_29 : i32 to index
      %swap3A_30 = tpu.vector_load %arg5[%swap3A] {strides = array<i32>} : memref<10240xf32, #tpu.memory_space<vmem>>, vector<16xf32>,
      tpu.vector_store %arg5[%swap3A], %broadcast_in_dim3A_1 {strides = array<i32>} : memref<10240xf32, #tpu.memory_space<vmem>>, vector<16xf32>,
    }
    %scan3A_8 = arith.constant 640 : i32
    %mul3A_9 = arith.constant 10496 : i32
    %mul3A_10 = arith.muli %add3A, %mul3A_9 : i32
    "tpu.region"() ({
      %run_scoped3A = tpu.sem_alloc : memref<!tpu.dma_semaphore, #tpu.memory_space<semaphore_mem>>
      %dma_start3A = tpu.memref_slice %arg2[%mul3A_10] : memref<335872xi32, #tpu.memory_space<hbm>> -> memref<10496xi32, #tpu.memory_space<hbm>>
      %dma_start3A_27 = tpu.memref_slice %arg2[%mul3A_10] : memref<335872xi32, #tpu.memory_space<hbm>> -> memref<10496xi32, #tpu.memory_space<hbm>>
      tpu.enqueue_dma source(%dma_start3A_27 : memref<10496xi32, #tpu.memory_space<hbm>>) target(%arg4 : memref<10496xi32, #tpu.memory_space<vmem>>) target_semaphore(%run_scoped3A : memref<!tpu.dma_semaphore, #tpu.memory_space<semaphore_mem>>)
      %dma_wait3A = tpu.memref_slice %arg2[%mul3A_10] : memref<335872xi32, #tpu.memory_space<hbm>> -> memref<10496xi32, #tpu.memory_space<hbm>>
      %dma_wait3A_28 = tpu.memref_slice %arg2[%mul3A_10] : memref<335872xi32, #tpu.memory_space<hbm>> -> memref<10496xi32, #tpu.memory_space<hbm>>
      tpu.wait_dma2 semaphore(%run_scoped3A : memref<!tpu.dma_semaphore, #tpu.memory_space<semaphore_mem>>) src(%dma_wait3A_28 : memref<10496xi32, #tpu.memory_space<hbm>>) dst(%arg4 : memref<10496xi32, #tpu.memory_space<vmem>>)
      tpu.yield
    }) : () -> ()
    %scan3A_11 = arith.constant 0 : i32
    %scan3A_12 = arith.constant 0 : i32
    %scan3A_13 = arith.constant 656 : i32
    %scan3A_14 = arith.addi %scan3A_12, %scan3A_13 : i32
    %scan3A_15 = arith.constant 1 : i32
    scf.for %scan3A_27 = %scan3A_12 to %scan3A_14 step %scan3A_15  : i32 {
      %mul3A_28 = arith.constant 16 : i32
      %mul3A_29 = arith.muli %scan3A_27, %mul3A_28 : i32
      %get3A = arith.index_cast %mul3A_29 : i32 to index
      %get3A_30 = tpu.vector_load %arg4[%get3A] {strides = array<i32>} : memref<10496xi32, #tpu.memory_space<vmem>>, vector<16xi32>,
      tpu.vector_store_idx %arg5[%get3A_30], %broadcast_in_dim3A_3 {add = true} : memref<10240xf32, #tpu.memory_space<vmem>>[vector<16xi32>], vector<16xf32>,
    }
    %scan3A_16 = arith.constant 656 : i32
    "tpu.region"() ({
      %run_scoped3A = tpu.sem_alloc : memref<!tpu.dma_semaphore, #tpu.memory_space<semaphore_mem>>
      %dma_start3A = arith.constant 0 : i32
      %dma_start3A_27 = tpu.memref_slice %arg8[%arg1, %dma_start3A] : memref<16x10240xf32, #tpu.memory_space<vmem_shared>> -> memref<1x10240xf32, #tpu.memory_space<vmem_shared>>
      %dma_start3A_28 = tpu.memref_squeeze %dma_start3A_27 : memref<1x10240xf32, #tpu.memory_space<vmem_shared>> -> memref<10240xf32, #tpu.memory_space<vmem_shared>>
      %dma_start3A_29 = arith.constant 0 : i32
      %dma_start3A_30 = tpu.memref_slice %arg8[%arg1, %dma_start3A_29] : memref<16x10240xf32, #tpu.memory_space<vmem_shared>> -> memref<1x10240xf32, #tpu.memory_space<vmem_shared>>
      %dma_start3A_31 = tpu.memref_squeeze %dma_start3A_30 : memref<1x10240xf32, #tpu.memory_space<vmem_shared>> -> memref<10240xf32, #tpu.memory_space<vmem_shared>>
      tpu.enqueue_dma source(%arg5 : memref<10240xf32, #tpu.memory_space<vmem>>) target(%dma_start3A_31 : memref<10240xf32, #tpu.memory_space<vmem_shared>>) target_semaphore(%run_scoped3A : memref<!tpu.dma_semaphore, #tpu.memory_space<semaphore_mem>>)
      %dma_wait3A = arith.constant 0 : i32
      %dma_wait3A_32 = tpu.memref_slice %arg8[%arg1, %dma_wait3A] : memref<16x10240xf32, #tpu.memory_space<vmem_shared>> -> memref<1x10240xf32, #tpu.memory_space<vmem_shared>>
      %dma_wait3A_33 = tpu.memref_squeeze %dma_wait3A_32 : memref<1x10240xf32, #tpu.memory_space<vmem_shared>> -> memref<10240xf32, #tpu.memory_space<vmem_shared>>
      %dma_wait3A_34 = arith.constant 0 : i32
      %dma_wait3A_35 = tpu.memref_slice %arg8[%arg1, %dma_wait3A_34] : memref<16x10240xf32, #tpu.memory_space<vmem_shared>> -> memref<1x10240xf32, #tpu.memory_space<vmem_shared>>
      %dma_wait3A_36 = tpu.memref_squeeze %dma_wait3A_35 : memref<1x10240xf32, #tpu.memory_space<vmem_shared>> -> memref<10240xf32, #tpu.memory_space<vmem_shared>>
      tpu.wait_dma2 semaphore(%run_scoped3A : memref<!tpu.dma_semaphore, #tpu.memory_space<semaphore_mem>>) src(%arg5 : memref<10240xf32, #tpu.memory_space<vmem>>) dst(%dma_wait3A_36 : memref<10240xf32, #tpu.memory_space<vmem_shared>>)
      tpu.yield
    }) : () -> ()
    %barrier3A = arith.constant 0 : index
    tpu.barrier barrier_id(%barrier3A)
    %mul3A_17 = arith.constant 640 : i32
    %mul3A_18 = arith.muli %arg1, %mul3A_17 : i32
    "tpu.region"() ({
      %run_scoped3A = tpu.sem_alloc : memref<!tpu.dma_semaphore, #tpu.memory_space<semaphore_mem>>
      %dma_start3A = arith.constant 0 : i32
      %dma_start3A_27 = tpu.memref_slice %arg8[%dma_start3A, %mul3A_18] : memref<16x10240xf32, #tpu.memory_space<vmem_shared>> -> memref<16x640xf32, #tpu.memory_space<vmem_shared>>
      %dma_start3A_28 = arith.constant 0 : i32
      %dma_start3A_29 = tpu.memref_slice %arg8[%dma_start3A_28, %mul3A_18] : memref<16x10240xf32, #tpu.memory_space<vmem_shared>> -> memref<16x640xf32, #tpu.memory_space<vmem_shared>>
      tpu.enqueue_dma source(%dma_start3A_29 : memref<16x640xf32, #tpu.memory_space<vmem_shared>>) target(%arg6 : memref<16x640xf32, #tpu.memory_space<vmem>>) target_semaphore(%run_scoped3A : memref<!tpu.dma_semaphore, #tpu.memory_space<semaphore_mem>>)
      %dma_wait3A = arith.constant 0 : i32
      %dma_wait3A_30 = tpu.memref_slice %arg8[%dma_wait3A, %mul3A_18] : memref<16x10240xf32, #tpu.memory_space<vmem_shared>> -> memref<16x640xf32, #tpu.memory_space<vmem_shared>>
      %dma_wait3A_31 = arith.constant 0 : i32
      %dma_wait3A_32 = tpu.memref_slice %arg8[%dma_wait3A_31, %mul3A_18] : memref<16x10240xf32, #tpu.memory_space<vmem_shared>> -> memref<16x640xf32, #tpu.memory_space<vmem_shared>>
      tpu.wait_dma2 semaphore(%run_scoped3A : memref<!tpu.dma_semaphore, #tpu.memory_space<semaphore_mem>>) src(%dma_wait3A_32 : memref<16x640xf32, #tpu.memory_space<vmem_shared>>) dst(%arg6 : memref<16x640xf32, #tpu.memory_space<vmem>>)
      tpu.yield
    }) : () -> ()
    %scan3A_19 = arith.constant 0 : i32
    %scan3A_20 = arith.constant 0 : i32
    %scan3A_21 = arith.constant 40 : i32
    %scan3A_22 = arith.addi %scan3A_20, %scan3A_21 : i32
    %scan3A_23 = arith.constant 1 : i32
    scf.for %scan3A_27 = %scan3A_20 to %scan3A_22 step %scan3A_23  : i32 {
      %mul3A_28 = arith.constant 16 : i32
      %mul3A_29 = arith.muli %scan3A_27, %mul3A_28 : i32
      %get3A = arith.constant 0 : i32
      %get3A_30 = arith.index_cast %get3A : i32 to index
      %get3A_31 = arith.index_cast %mul3A_29 : i32 to index
      %get3A_32 = tpu.vector_load %arg6[%get3A_30, %get3A_31] {strides = array<i32>} : memref<16x640xf32, #tpu.memory_space<vmem>>, vector<16xf32>,
      %mul3A_33 = arith.constant 16 : i32
      %mul3A_34 = arith.muli %scan3A_27, %mul3A_33 : i32
      %get3A_35 = arith.constant 1 : i32
      %get3A_36 = arith.index_cast %get3A_35 : i32 to index
      %get3A_37 = arith.index_cast %mul3A_34 : i32 to index
      %get3A_38 = tpu.vector_load %arg6[%get3A_36, %get3A_37] {strides = array<i32>} : memref<16x640xf32, #tpu.memory_space<vmem>>, vector<16xf32>,
      %add3A_39 = arith.addf %get3A_32, %get3A_38 : vector<16xf32>
      %mul3A_40 = arith.constant 16 : i32
      %mul3A_41 = arith.muli %scan3A_27, %mul3A_40 : i32
      %get3A_42 = arith.constant 2 : i32
      %get3A_43 = arith.index_cast %get3A_42 : i32 to index
      %get3A_44 = arith.index_cast %mul3A_41 : i32 to index
      %get3A_45 = tpu.vector_load %arg6[%get3A_43, %get3A_44] {strides = array<i32>} : memref<16x640xf32, #tpu.memory_space<vmem>>, vector<16xf32>,
      %add3A_46 = arith.addf %add3A_39, %get3A_45 : vector<16xf32>
      %mul3A_47 = arith.constant 16 : i32
      %mul3A_48 = arith.muli %scan3A_27, %mul3A_47 : i32
      %get3A_49 = arith.constant 3 : i32
      %get3A_50 = arith.index_cast %get3A_49 : i32 to index
      %get3A_51 = arith.index_cast %mul3A_48 : i32 to index
      %get3A_52 = tpu.vector_load %arg6[%get3A_50, %get3A_51] {strides = array<i32>} : memref<16x640xf32, #tpu.memory_space<vmem>>, vector<16xf32>,
      %add3A_53 = arith.addf %add3A_46, %get3A_52 : vector<16xf32>
      %mul3A_54 = arith.constant 16 : i32
      %mul3A_55 = arith.muli %scan3A_27, %mul3A_54 : i32
      %get3A_56 = arith.constant 4 : i32
      %get3A_57 = arith.index_cast %get3A_56 : i32 to index
      %get3A_58 = arith.index_cast %mul3A_55 : i32 to index
      %get3A_59 = tpu.vector_load %arg6[%get3A_57, %get3A_58] {strides = array<i32>} : memref<16x640xf32, #tpu.memory_space<vmem>>, vector<16xf32>,
      %add3A_60 = arith.addf %add3A_53, %get3A_59 : vector<16xf32>
      %mul3A_61 = arith.constant 16 : i32
      %mul3A_62 = arith.muli %scan3A_27, %mul3A_61 : i32
      %get3A_63 = arith.constant 5 : i32
      %get3A_64 = arith.index_cast %get3A_63 : i32 to index
      %get3A_65 = arith.index_cast %mul3A_62 : i32 to index
      %get3A_66 = tpu.vector_load %arg6[%get3A_64, %get3A_65] {strides = array<i32>} : memref<16x640xf32, #tpu.memory_space<vmem>>, vector<16xf32>,
      %add3A_67 = arith.addf %add3A_60, %get3A_66 : vector<16xf32>
      %mul3A_68 = arith.constant 16 : i32
      %mul3A_69 = arith.muli %scan3A_27, %mul3A_68 : i32
      %get3A_70 = arith.constant 6 : i32
      %get3A_71 = arith.index_cast %get3A_70 : i32 to index
      %get3A_72 = arith.index_cast %mul3A_69 : i32 to index
      %get3A_73 = tpu.vector_load %arg6[%get3A_71, %get3A_72] {strides = array<i32>} : memref<16x640xf32, #tpu.memory_space<vmem>>, vector<16xf32>,
      %add3A_74 = arith.addf %add3A_67, %get3A_73 : vector<16xf32>
      %mul3A_75 = arith.constant 16 : i32
      %mul3A_76 = arith.muli %scan3A_27, %mul3A_75 : i32
      %get3A_77 = arith.constant 7 : i32
      %get3A_78 = arith.index_cast %get3A_77 : i32 to index
      %get3A_79 = arith.index_cast %mul3A_76 : i32 to index
      %get3A_80 = tpu.vector_load %arg6[%get3A_78, %get3A_79] {strides = array<i32>} : memref<16x640xf32, #tpu.memory_space<vmem>>, vector<16xf32>,
      %add3A_81 = arith.addf %add3A_74, %get3A_80 : vector<16xf32>
      %mul3A_82 = arith.constant 16 : i32
      %mul3A_83 = arith.muli %scan3A_27, %mul3A_82 : i32
      %get3A_84 = arith.constant 8 : i32
      %get3A_85 = arith.index_cast %get3A_84 : i32 to index
      %get3A_86 = arith.index_cast %mul3A_83 : i32 to index
      %get3A_87 = tpu.vector_load %arg6[%get3A_85, %get3A_86] {strides = array<i32>} : memref<16x640xf32, #tpu.memory_space<vmem>>, vector<16xf32>,
      %add3A_88 = arith.addf %add3A_81, %get3A_87 : vector<16xf32>
      %mul3A_89 = arith.constant 16 : i32
      %mul3A_90 = arith.muli %scan3A_27, %mul3A_89 : i32
      %get3A_91 = arith.constant 9 : i32
      %get3A_92 = arith.index_cast %get3A_91 : i32 to index
      %get3A_93 = arith.index_cast %mul3A_90 : i32 to index
      %get3A_94 = tpu.vector_load %arg6[%get3A_92, %get3A_93] {strides = array<i32>} : memref<16x640xf32, #tpu.memory_space<vmem>>, vector<16xf32>,
      %add3A_95 = arith.addf %add3A_88, %get3A_94 : vector<16xf32>
      %mul3A_96 = arith.constant 16 : i32
      %mul3A_97 = arith.muli %scan3A_27, %mul3A_96 : i32
      %get3A_98 = arith.constant 10 : i32
      %get3A_99 = arith.index_cast %get3A_98 : i32 to index
      %get3A_100 = arith.index_cast %mul3A_97 : i32 to index
      %get3A_101 = tpu.vector_load %arg6[%get3A_99, %get3A_100] {strides = array<i32>} : memref<16x640xf32, #tpu.memory_space<vmem>>, vector<16xf32>,
      %add3A_102 = arith.addf %add3A_95, %get3A_101 : vector<16xf32>
      %mul3A_103 = arith.constant 16 : i32
      %mul3A_104 = arith.muli %scan3A_27, %mul3A_103 : i32
      %get3A_105 = arith.constant 11 : i32
      %get3A_106 = arith.index_cast %get3A_105 : i32 to index
      %get3A_107 = arith.index_cast %mul3A_104 : i32 to index
      %get3A_108 = tpu.vector_load %arg6[%get3A_106, %get3A_107] {strides = array<i32>} : memref<16x640xf32, #tpu.memory_space<vmem>>, vector<16xf32>,
      %add3A_109 = arith.addf %add3A_102, %get3A_108 : vector<16xf32>
      %mul3A_110 = arith.constant 16 : i32
      %mul3A_111 = arith.muli %scan3A_27, %mul3A_110 : i32
      %get3A_112 = arith.constant 12 : i32
      %get3A_113 = arith.index_cast %get3A_112 : i32 to index
      %get3A_114 = arith.index_cast %mul3A_111 : i32 to index
      %get3A_115 = tpu.vector_load %arg6[%get3A_113, %get3A_114] {strides = array<i32>} : memref<16x640xf32, #tpu.memory_space<vmem>>, vector<16xf32>,
      %add3A_116 = arith.addf %add3A_109, %get3A_115 : vector<16xf32>
      %mul3A_117 = arith.constant 16 : i32
      %mul3A_118 = arith.muli %scan3A_27, %mul3A_117 : i32
      %get3A_119 = arith.constant 13 : i32
      %get3A_120 = arith.index_cast %get3A_119 : i32 to index
      %get3A_121 = arith.index_cast %mul3A_118 : i32 to index
      %get3A_122 = tpu.vector_load %arg6[%get3A_120, %get3A_121] {strides = array<i32>} : memref<16x640xf32, #tpu.memory_space<vmem>>, vector<16xf32>,
      %add3A_123 = arith.addf %add3A_116, %get3A_122 : vector<16xf32>
      %mul3A_124 = arith.constant 16 : i32
      %mul3A_125 = arith.muli %scan3A_27, %mul3A_124 : i32
      %get3A_126 = arith.constant 14 : i32
      %get3A_127 = arith.index_cast %get3A_126 : i32 to index
      %get3A_128 = arith.index_cast %mul3A_125 : i32 to index
      %get3A_129 = tpu.vector_load %arg6[%get3A_127, %get3A_128] {strides = array<i32>} : memref<16x640xf32, #tpu.memory_space<vmem>>, vector<16xf32>,
      %add3A_130 = arith.addf %add3A_123, %get3A_129 : vector<16xf32>
      %mul3A_131 = arith.constant 16 : i32
      %mul3A_132 = arith.muli %scan3A_27, %mul3A_131 : i32
      %get3A_133 = arith.constant 15 : i32
      %get3A_134 = arith.index_cast %get3A_133 : i32 to index
      %get3A_135 = arith.index_cast %mul3A_132 : i32 to index
      %get3A_136 = tpu.vector_load %arg6[%get3A_134, %get3A_135] {strides = array<i32>} : memref<16x640xf32, #tpu.memory_space<vmem>>, vector<16xf32>,
      %add3A_137 = arith.addf %add3A_130, %get3A_136 : vector<16xf32>
      %mul3A_138 = arith.constant 16 : i32
      %mul3A_139 = arith.muli %scan3A_27, %mul3A_138 : i32
      %swap3A = arith.index_cast %mul3A_139 : i32 to index
      %swap3A_140 = tpu.vector_load %arg7[%swap3A] {strides = array<i32>} : memref<640xf32, #tpu.memory_space<vmem>>, vector<16xf32>,
      tpu.vector_store %arg7[%swap3A], %add3A_137 {strides = array<i32>} : memref<640xf32, #tpu.memory_space<vmem>>, vector<16xf32>,
    }
    %scan3A_24 = arith.constant 40 : i32
    %mul3A_25 = arith.constant 640 : i32
    %mul3A_26 = arith.muli %arg1, %mul3A_25 : i32
    "tpu.region"() ({
      %run_scoped3A = tpu.sem_alloc : memref<!tpu.dma_semaphore, #tpu.memory_space<semaphore_mem>>
      %dma_start3A = tpu.memref_slice %arg3[%arg0, %mul3A_26] : memref<2x10240xf32, #tpu.memory_space<hbm>> -> memref<1x640xf32, #tpu.memory_space<hbm>>
      %dma_start3A_27 = tpu.memref_squeeze %dma_start3A : memref<1x640xf32, #tpu.memory_space<hbm>> -> memref<640xf32, #tpu.memory_space<hbm>>
      %dma_start3A_28 = tpu.memref_slice %arg3[%arg0, %mul3A_26] : memref<2x10240xf32, #tpu.memory_space<hbm>> -> memref<1x640xf32, #tpu.memory_space<hbm>>
      %dma_start3A_29 = tpu.memref_squeeze %dma_start3A_28 : memref<1x640xf32, #tpu.memory_space<hbm>> -> memref<640xf32, #tpu.memory_space<hbm>>
      tpu.enqueue_dma source(%arg7 : memref<640xf32, #tpu.memory_space<vmem>>) target(%dma_start3A_29 : memref<640xf32, #tpu.memory_space<hbm>>) target_semaphore(%run_scoped3A : memref<!tpu.dma_semaphore, #tpu.memory_space<semaphore_mem>>)
      %dma_wait3A = tpu.memref_slice %arg3[%arg0, %mul3A_26] : memref<2x10240xf32, #tpu.memory_space<hbm>> -> memref<1x640xf32, #tpu.memory_space<hbm>>
      %dma_wait3A_30 = tpu.memref_squeeze %dma_wait3A : memref<1x640xf32, #tpu.memory_space<hbm>> -> memref<640xf32, #tpu.memory_space<hbm>>
      %dma_wait3A_31 = tpu.memref_slice %arg3[%arg0, %mul3A_26] : memref<2x10240xf32, #tpu.memory_space<hbm>> -> memref<1x640xf32, #tpu.memory_space<hbm>>
      %dma_wait3A_32 = tpu.memref_squeeze %dma_wait3A_31 : memref<1x640xf32, #tpu.memory_space<hbm>> -> memref<640xf32, #tpu.memory_space<hbm>>
      tpu.wait_dma2 semaphore(%run_scoped3A : memref<!tpu.dma_semaphore, #tpu.memory_space<semaphore_mem>>) src(%arg7 : memref<640xf32, #tpu.memory_space<vmem>>) dst(%dma_wait3A_32 : memref<640xf32, #tpu.memory_space<hbm>>)
      tpu.yield
    }) : () -> ()
    return
  }
}

#map = affine_map<(d0, d1) -> (0, 0, 0, 0)>
#map1 = affine_map<(d0, d1) -> (0, 0)>
#map2 = affine_map<(d0, d1) -> (0, 0, 0)>
module attributes {stable_mosaic.version = 14 : i64} {
  func.func @_agg_kernel(%arg0: i32, %arg1: i32, %arg2: memref<32x2x41x128xi32, #tpu.memory_space<hbm>>, %arg3: memref<32x2x41x128xi32, #tpu.memory_space<hbm>>, %arg4: memref<10000x128xf32, #tpu.memory_space<hbm>>, %arg5: memref<2x10240x128xf32, #tpu.memory_space<hbm>>, %arg6: memref<41x128xi32, #tpu.memory_space<vmem>>, %arg7: memref<41x128xi32, #tpu.memory_space<vmem>>, %arg8: memref<128x128xf32, #tpu.memory_space<vmem>>, %arg9: memref<128x128xf32, #tpu.memory_space<vmem>>, %arg10: memref<10240x128xf32, #tpu.memory_space<vmem_shared>>, %arg11: memref<!tpu.dma_semaphore, #tpu.memory_space<semaphore_mem>>) attributes {dimension_semantics = [#tpu.dimension_semantics<core_parallel>, #tpu.dimension_semantics<subcore_parallel>], iteration_bounds = array<i64: 2, 16>, scalar_prefetch = 0 : i64, scratch_operands = 6 : i64, tpu.core_type = #tpu.core_type<sc_vector_subcore>, window_params = [{transform_indices = #map}, {transform_indices = #map}, {transform_indices = #map1}, {transform_indices = #map2}]} {
    %mul3A = arith.constant 16 : i32
    %mul3A_0 = arith.muli %arg0, %mul3A : i32
    %add3A = arith.addi %mul3A_0, %arg1 : i32
    %broadcast_in_dim3A = arith.constant 0.000000e+00 : f32
    %broadcast_in_dim3A_1 = vector.broadcast %broadcast_in_dim3A : f32 to vector<16xf32>
    %scan3A = arith.constant 0 : i32
    %scan3A_2 = arith.constant 0 : i32
    %scan3A_3 = arith.constant 128 : i32
    %scan3A_4 = arith.addi %scan3A_2, %scan3A_3 : i32
    %scan3A_5 = arith.constant 1 : i32
    scf.for %scan3A_75 = %scan3A_2 to %scan3A_4 step %scan3A_5  : i32 {
      %swap3A = arith.index_cast %scan3A_75 : i32 to index
      %swap3A_76 = arith.constant 0 : index
      %swap3A_77 = tpu.vector_load %arg8[%swap3A, %swap3A_76] {strides = array<i32>} : memref<128x128xf32, #tpu.memory_space<vmem>>, vector<1x16xf32>,
      %swap3A_78 = vector.shape_cast %swap3A_77 : vector<1x16xf32> to vector<16xf32>
      %swap3A_79 = vector.shape_cast %broadcast_in_dim3A_1 : vector<16xf32> to vector<1x16xf32>
      tpu.vector_store %arg8[%swap3A, %swap3A_76], %swap3A_79 {strides = array<i32>} : memref<128x128xf32, #tpu.memory_space<vmem>>, vector<1x16xf32>,
      %swap3A_80 = arith.index_cast %scan3A_75 : i32 to index
      %swap3A_81 = arith.constant 16 : index
      %swap3A_82 = tpu.vector_load %arg8[%swap3A_80, %swap3A_81] {strides = array<i32>} : memref<128x128xf32, #tpu.memory_space<vmem>>, vector<1x16xf32>,
      %swap3A_83 = vector.shape_cast %swap3A_82 : vector<1x16xf32> to vector<16xf32>
      %swap3A_84 = vector.shape_cast %broadcast_in_dim3A_1 : vector<16xf32> to vector<1x16xf32>
      tpu.vector_store %arg8[%swap3A_80, %swap3A_81], %swap3A_84 {strides = array<i32>} : memref<128x128xf32, #tpu.memory_space<vmem>>, vector<1x16xf32>,
      %swap3A_85 = arith.index_cast %scan3A_75 : i32 to index
      %swap3A_86 = arith.constant 32 : index
      %swap3A_87 = tpu.vector_load %arg8[%swap3A_85, %swap3A_86] {strides = array<i32>} : memref<128x128xf32, #tpu.memory_space<vmem>>, vector<1x16xf32>,
      %swap3A_88 = vector.shape_cast %swap3A_87 : vector<1x16xf32> to vector<16xf32>
      %swap3A_89 = vector.shape_cast %broadcast_in_dim3A_1 : vector<16xf32> to vector<1x16xf32>
      tpu.vector_store %arg8[%swap3A_85, %swap3A_86], %swap3A_89 {strides = array<i32>} : memref<128x128xf32, #tpu.memory_space<vmem>>, vector<1x16xf32>,
      %swap3A_90 = arith.index_cast %scan3A_75 : i32 to index
      %swap3A_91 = arith.constant 48 : index
      %swap3A_92 = tpu.vector_load %arg8[%swap3A_90, %swap3A_91] {strides = array<i32>} : memref<128x128xf32, #tpu.memory_space<vmem>>, vector<1x16xf32>,
      %swap3A_93 = vector.shape_cast %swap3A_92 : vector<1x16xf32> to vector<16xf32>
      %swap3A_94 = vector.shape_cast %broadcast_in_dim3A_1 : vector<16xf32> to vector<1x16xf32>
      tpu.vector_store %arg8[%swap3A_90, %swap3A_91], %swap3A_94 {strides = array<i32>} : memref<128x128xf32, #tpu.memory_space<vmem>>, vector<1x16xf32>,
      %swap3A_95 = arith.index_cast %scan3A_75 : i32 to index
      %swap3A_96 = arith.constant 64 : index
      %swap3A_97 = tpu.vector_load %arg8[%swap3A_95, %swap3A_96] {strides = array<i32>} : memref<128x128xf32, #tpu.memory_space<vmem>>, vector<1x16xf32>,
      %swap3A_98 = vector.shape_cast %swap3A_97 : vector<1x16xf32> to vector<16xf32>
      %swap3A_99 = vector.shape_cast %broadcast_in_dim3A_1 : vector<16xf32> to vector<1x16xf32>
      tpu.vector_store %arg8[%swap3A_95, %swap3A_96], %swap3A_99 {strides = array<i32>} : memref<128x128xf32, #tpu.memory_space<vmem>>, vector<1x16xf32>,
      %swap3A_100 = arith.index_cast %scan3A_75 : i32 to index
      %swap3A_101 = arith.constant 80 : index
      %swap3A_102 = tpu.vector_load %arg8[%swap3A_100, %swap3A_101] {strides = array<i32>} : memref<128x128xf32, #tpu.memory_space<vmem>>, vector<1x16xf32>,
      %swap3A_103 = vector.shape_cast %swap3A_102 : vector<1x16xf32> to vector<16xf32>
      %swap3A_104 = vector.shape_cast %broadcast_in_dim3A_1 : vector<16xf32> to vector<1x16xf32>
      tpu.vector_store %arg8[%swap3A_100, %swap3A_101], %swap3A_104 {strides = array<i32>} : memref<128x128xf32, #tpu.memory_space<vmem>>, vector<1x16xf32>,
      %swap3A_105 = arith.index_cast %scan3A_75 : i32 to index
      %swap3A_106 = arith.constant 96 : index
      %swap3A_107 = tpu.vector_load %arg8[%swap3A_105, %swap3A_106] {strides = array<i32>} : memref<128x128xf32, #tpu.memory_space<vmem>>, vector<1x16xf32>,
      %swap3A_108 = vector.shape_cast %swap3A_107 : vector<1x16xf32> to vector<16xf32>
      %swap3A_109 = vector.shape_cast %broadcast_in_dim3A_1 : vector<16xf32> to vector<1x16xf32>
      tpu.vector_store %arg8[%swap3A_105, %swap3A_106], %swap3A_109 {strides = array<i32>} : memref<128x128xf32, #tpu.memory_space<vmem>>, vector<1x16xf32>,
      %swap3A_110 = arith.index_cast %scan3A_75 : i32 to index
      %swap3A_111 = arith.constant 112 : index
      %swap3A_112 = tpu.vector_load %arg8[%swap3A_110, %swap3A_111] {strides = array<i32>} : memref<128x128xf32, #tpu.memory_space<vmem>>, vector<1x16xf32>,
      %swap3A_113 = vector.shape_cast %swap3A_112 : vector<1x16xf32> to vector<16xf32>
      %swap3A_114 = vector.shape_cast %broadcast_in_dim3A_1 : vector<16xf32> to vector<1x16xf32>
      tpu.vector_store %arg8[%swap3A_110, %swap3A_111], %swap3A_114 {strides = array<i32>} : memref<128x128xf32, #tpu.memory_space<vmem>>, vector<1x16xf32>,
    }
    %scan3A_6 = arith.constant 128 : i32
    %mul3A_7 = arith.constant 640 : i32
    %mul3A_8 = arith.muli %arg1, %mul3A_7 : i32
    %add3A_9 = arith.constant 0 : i32
    %add3A_10 = arith.addi %mul3A_8, %add3A_9 : i32
    "tpu.region"() ({
      %run_scoped3A_75 = tpu.sem_alloc : memref<!tpu.dma_semaphore, #tpu.memory_space<semaphore_mem>>
      %dma_start3A_76 = arith.constant 0 : i32
      %dma_start3A_77 = tpu.memref_slice %arg10[%add3A_10, %dma_start3A_76] : memref<10240x128xf32, #tpu.memory_space<vmem_shared>> -> memref<128x128xf32, #tpu.memory_space<vmem_shared>>
      %dma_start3A_78 = arith.constant 0 : i32
      %dma_start3A_79 = tpu.memref_slice %arg10[%add3A_10, %dma_start3A_78] : memref<10240x128xf32, #tpu.memory_space<vmem_shared>> -> memref<128x128xf32, #tpu.memory_space<vmem_shared>>
      tpu.enqueue_dma source(%arg8 : memref<128x128xf32, #tpu.memory_space<vmem>>) target(%dma_start3A_79 : memref<128x128xf32, #tpu.memory_space<vmem_shared>>) target_semaphore(%run_scoped3A_75 : memref<!tpu.dma_semaphore, #tpu.memory_space<semaphore_mem>>)
      %dma_wait3A_80 = arith.constant 0 : i32
      %dma_wait3A_81 = tpu.memref_slice %arg10[%add3A_10, %dma_wait3A_80] : memref<10240x128xf32, #tpu.memory_space<vmem_shared>> -> memref<128x128xf32, #tpu.memory_space<vmem_shared>>
      %dma_wait3A_82 = arith.constant 0 : i32
      %dma_wait3A_83 = tpu.memref_slice %arg10[%add3A_10, %dma_wait3A_82] : memref<10240x128xf32, #tpu.memory_space<vmem_shared>> -> memref<128x128xf32, #tpu.memory_space<vmem_shared>>
      tpu.wait_dma2 semaphore(%run_scoped3A_75 : memref<!tpu.dma_semaphore, #tpu.memory_space<semaphore_mem>>) src(%arg8 : memref<128x128xf32, #tpu.memory_space<vmem>>) dst(%dma_wait3A_83 : memref<128x128xf32, #tpu.memory_space<vmem_shared>>)
      tpu.yield
    }) : () -> ()
    %mul3A_11 = arith.constant 640 : i32
    %mul3A_12 = arith.muli %arg1, %mul3A_11 : i32
    %add3A_13 = arith.constant 128 : i32
    %add3A_14 = arith.addi %mul3A_12, %add3A_13 : i32
    "tpu.region"() ({
      %run_scoped3A_75 = tpu.sem_alloc : memref<!tpu.dma_semaphore, #tpu.memory_space<semaphore_mem>>
      %dma_start3A_76 = arith.constant 0 : i32
      %dma_start3A_77 = tpu.memref_slice %arg10[%add3A_14, %dma_start3A_76] : memref<10240x128xf32, #tpu.memory_space<vmem_shared>> -> memref<128x128xf32, #tpu.memory_space<vmem_shared>>
      %dma_start3A_78 = arith.constant 0 : i32
      %dma_start3A_79 = tpu.memref_slice %arg10[%add3A_14, %dma_start3A_78] : memref<10240x128xf32, #tpu.memory_space<vmem_shared>> -> memref<128x128xf32, #tpu.memory_space<vmem_shared>>
      tpu.enqueue_dma source(%arg8 : memref<128x128xf32, #tpu.memory_space<vmem>>) target(%dma_start3A_79 : memref<128x128xf32, #tpu.memory_space<vmem_shared>>) target_semaphore(%run_scoped3A_75 : memref<!tpu.dma_semaphore, #tpu.memory_space<semaphore_mem>>)
      %dma_wait3A_80 = arith.constant 0 : i32
      %dma_wait3A_81 = tpu.memref_slice %arg10[%add3A_14, %dma_wait3A_80] : memref<10240x128xf32, #tpu.memory_space<vmem_shared>> -> memref<128x128xf32, #tpu.memory_space<vmem_shared>>
      %dma_wait3A_82 = arith.constant 0 : i32
      %dma_wait3A_83 = tpu.memref_slice %arg10[%add3A_14, %dma_wait3A_82] : memref<10240x128xf32, #tpu.memory_space<vmem_shared>> -> memref<128x128xf32, #tpu.memory_space<vmem_shared>>
      tpu.wait_dma2 semaphore(%run_scoped3A_75 : memref<!tpu.dma_semaphore, #tpu.memory_space<semaphore_mem>>) src(%arg8 : memref<128x128xf32, #tpu.memory_space<vmem>>) dst(%dma_wait3A_83 : memref<128x128xf32, #tpu.memory_space<vmem_shared>>)
      tpu.yield
    }) : () -> ()
    %mul3A_15 = arith.constant 640 : i32
    %mul3A_16 = arith.muli %arg1, %mul3A_15 : i32
    %add3A_17 = arith.constant 256 : i32
    %add3A_18 = arith.addi %mul3A_16, %add3A_17 : i32
    "tpu.region"() ({
      %run_scoped3A_75 = tpu.sem_alloc : memref<!tpu.dma_semaphore, #tpu.memory_space<semaphore_mem>>
      %dma_start3A_76 = arith.constant 0 : i32
      %dma_start3A_77 = tpu.memref_slice %arg10[%add3A_18, %dma_start3A_76] : memref<10240x128xf32, #tpu.memory_space<vmem_shared>> -> memref<128x128xf32, #tpu.memory_space<vmem_shared>>
      %dma_start3A_78 = arith.constant 0 : i32
      %dma_start3A_79 = tpu.memref_slice %arg10[%add3A_18, %dma_start3A_78] : memref<10240x128xf32, #tpu.memory_space<vmem_shared>> -> memref<128x128xf32, #tpu.memory_space<vmem_shared>>
      tpu.enqueue_dma source(%arg8 : memref<128x128xf32, #tpu.memory_space<vmem>>) target(%dma_start3A_79 : memref<128x128xf32, #tpu.memory_space<vmem_shared>>) target_semaphore(%run_scoped3A_75 : memref<!tpu.dma_semaphore, #tpu.memory_space<semaphore_mem>>)
      %dma_wait3A_80 = arith.constant 0 : i32
      %dma_wait3A_81 = tpu.memref_slice %arg10[%add3A_18, %dma_wait3A_80] : memref<10240x128xf32, #tpu.memory_space<vmem_shared>> -> memref<128x128xf32, #tpu.memory_space<vmem_shared>>
      %dma_wait3A_82 = arith.constant 0 : i32
      %dma_wait3A_83 = tpu.memref_slice %arg10[%add3A_18, %dma_wait3A_82] : memref<10240x128xf32, #tpu.memory_space<vmem_shared>> -> memref<128x128xf32, #tpu.memory_space<vmem_shared>>
      tpu.wait_dma2 semaphore(%run_scoped3A_75 : memref<!tpu.dma_semaphore, #tpu.memory_space<semaphore_mem>>) src(%arg8 : memref<128x128xf32, #tpu.memory_space<vmem>>) dst(%dma_wait3A_83 : memref<128x128xf32, #tpu.memory_space<vmem_shared>>)
      tpu.yield
    }) : () -> ()
    %mul3A_19 = arith.constant 640 : i32
    %mul3A_20 = arith.muli %arg1, %mul3A_19 : i32
    %add3A_21 = arith.constant 384 : i32
    %add3A_22 = arith.addi %mul3A_20, %add3A_21 : i32
    "tpu.region"() ({
      %run_scoped3A_75 = tpu.sem_alloc : memref<!tpu.dma_semaphore, #tpu.memory_space<semaphore_mem>>
      %dma_start3A_76 = arith.constant 0 : i32
      %dma_start3A_77 = tpu.memref_slice %arg10[%add3A_22, %dma_start3A_76] : memref<10240x128xf32, #tpu.memory_space<vmem_shared>> -> memref<128x128xf32, #tpu.memory_space<vmem_shared>>
      %dma_start3A_78 = arith.constant 0 : i32
      %dma_start3A_79 = tpu.memref_slice %arg10[%add3A_22, %dma_start3A_78] : memref<10240x128xf32, #tpu.memory_space<vmem_shared>> -> memref<128x128xf32, #tpu.memory_space<vmem_shared>>
      tpu.enqueue_dma source(%arg8 : memref<128x128xf32, #tpu.memory_space<vmem>>) target(%dma_start3A_79 : memref<128x128xf32, #tpu.memory_space<vmem_shared>>) target_semaphore(%run_scoped3A_75 : memref<!tpu.dma_semaphore, #tpu.memory_space<semaphore_mem>>)
      %dma_wait3A_80 = arith.constant 0 : i32
      %dma_wait3A_81 = tpu.memref_slice %arg10[%add3A_22, %dma_wait3A_80] : memref<10240x128xf32, #tpu.memory_space<vmem_shared>> -> memref<128x128xf32, #tpu.memory_space<vmem_shared>>
      %dma_wait3A_82 = arith.constant 0 : i32
      %dma_wait3A_83 = tpu.memref_slice %arg10[%add3A_22, %dma_wait3A_82] : memref<10240x128xf32, #tpu.memory_space<vmem_shared>> -> memref<128x128xf32, #tpu.memory_space<vmem_shared>>
      tpu.wait_dma2 semaphore(%run_scoped3A_75 : memref<!tpu.dma_semaphore, #tpu.memory_space<semaphore_mem>>) src(%arg8 : memref<128x128xf32, #tpu.memory_space<vmem>>) dst(%dma_wait3A_83 : memref<128x128xf32, #tpu.memory_space<vmem_shared>>)
      tpu.yield
    }) : () -> ()
    %mul3A_23 = arith.constant 640 : i32
    %mul3A_24 = arith.muli %arg1, %mul3A_23 : i32
    %add3A_25 = arith.constant 512 : i32
    %add3A_26 = arith.addi %mul3A_24, %add3A_25 : i32
    "tpu.region"() ({
      %run_scoped3A_75 = tpu.sem_alloc : memref<!tpu.dma_semaphore, #tpu.memory_space<semaphore_mem>>
      %dma_start3A_76 = arith.constant 0 : i32
      %dma_start3A_77 = tpu.memref_slice %arg10[%add3A_26, %dma_start3A_76] : memref<10240x128xf32, #tpu.memory_space<vmem_shared>> -> memref<128x128xf32, #tpu.memory_space<vmem_shared>>
      %dma_start3A_78 = arith.constant 0 : i32
      %dma_start3A_79 = tpu.memref_slice %arg10[%add3A_26, %dma_start3A_78] : memref<10240x128xf32, #tpu.memory_space<vmem_shared>> -> memref<128x128xf32, #tpu.memory_space<vmem_shared>>
      tpu.enqueue_dma source(%arg8 : memref<128x128xf32, #tpu.memory_space<vmem>>) target(%dma_start3A_79 : memref<128x128xf32, #tpu.memory_space<vmem_shared>>) target_semaphore(%run_scoped3A_75 : memref<!tpu.dma_semaphore, #tpu.memory_space<semaphore_mem>>)
      %dma_wait3A_80 = arith.constant 0 : i32
      %dma_wait3A_81 = tpu.memref_slice %arg10[%add3A_26, %dma_wait3A_80] : memref<10240x128xf32, #tpu.memory_space<vmem_shared>> -> memref<128x128xf32, #tpu.memory_space<vmem_shared>>
      %dma_wait3A_82 = arith.constant 0 : i32
      %dma_wait3A_83 = tpu.memref_slice %arg10[%add3A_26, %dma_wait3A_82] : memref<10240x128xf32, #tpu.memory_space<vmem_shared>> -> memref<128x128xf32, #tpu.memory_space<vmem_shared>>
      tpu.wait_dma2 semaphore(%run_scoped3A_75 : memref<!tpu.dma_semaphore, #tpu.memory_space<semaphore_mem>>) src(%arg8 : memref<128x128xf32, #tpu.memory_space<vmem>>) dst(%dma_wait3A_83 : memref<128x128xf32, #tpu.memory_space<vmem_shared>>)
      tpu.yield
    }) : () -> ()
    %barrier3A = arith.constant 0 : index
    tpu.barrier barrier_id(%barrier3A)
    %run_scoped3A = arith.constant 0 : i32
    "tpu.region"() ({
      %run_scoped3A_75 = tpu.sem_alloc : memref<!tpu.dma_semaphore, #tpu.memory_space<semaphore_mem>>
      %dma_start3A_76 = arith.constant 0 : i32
      %dma_start3A_77 = arith.constant 0 : i32
      %dma_start3A_78 = tpu.memref_slice %arg2[%add3A, %run_scoped3A, %dma_start3A_76, %dma_start3A_77] : memref<32x2x41x128xi32, #tpu.memory_space<hbm>> -> memref<1x1x41x128xi32, #tpu.memory_space<hbm>>
      %dma_start3A_79 = tpu.memref_squeeze %dma_start3A_78 : memref<1x1x41x128xi32, #tpu.memory_space<hbm>> -> memref<41x128xi32, #tpu.memory_space<hbm>>
      %dma_start3A_80 = arith.constant 0 : i32
      %dma_start3A_81 = arith.constant 0 : i32
      %dma_start3A_82 = tpu.memref_slice %arg2[%add3A, %run_scoped3A, %dma_start3A_80, %dma_start3A_81] : memref<32x2x41x128xi32, #tpu.memory_space<hbm>> -> memref<1x1x41x128xi32, #tpu.memory_space<hbm>>
      %dma_start3A_83 = tpu.memref_squeeze %dma_start3A_82 : memref<1x1x41x128xi32, #tpu.memory_space<hbm>> -> memref<41x128xi32, #tpu.memory_space<hbm>>
      tpu.enqueue_dma source(%dma_start3A_83 : memref<41x128xi32, #tpu.memory_space<hbm>>) target(%arg6 : memref<41x128xi32, #tpu.memory_space<vmem>>) target_semaphore(%run_scoped3A_75 : memref<!tpu.dma_semaphore, #tpu.memory_space<semaphore_mem>>)
      %dma_wait3A_84 = arith.constant 0 : i32
      %dma_wait3A_85 = arith.constant 0 : i32
      %dma_wait3A_86 = tpu.memref_slice %arg2[%add3A, %run_scoped3A, %dma_wait3A_84, %dma_wait3A_85] : memref<32x2x41x128xi32, #tpu.memory_space<hbm>> -> memref<1x1x41x128xi32, #tpu.memory_space<hbm>>
      %dma_wait3A_87 = tpu.memref_squeeze %dma_wait3A_86 : memref<1x1x41x128xi32, #tpu.memory_space<hbm>> -> memref<41x128xi32, #tpu.memory_space<hbm>>
      %dma_wait3A_88 = arith.constant 0 : i32
      %dma_wait3A_89 = arith.constant 0 : i32
      %dma_wait3A_90 = tpu.memref_slice %arg2[%add3A, %run_scoped3A, %dma_wait3A_88, %dma_wait3A_89] : memref<32x2x41x128xi32, #tpu.memory_space<hbm>> -> memref<1x1x41x128xi32, #tpu.memory_space<hbm>>
      %dma_wait3A_91 = tpu.memref_squeeze %dma_wait3A_90 : memref<1x1x41x128xi32, #tpu.memory_space<hbm>> -> memref<41x128xi32, #tpu.memory_space<hbm>>
      tpu.wait_dma2 semaphore(%run_scoped3A_75 : memref<!tpu.dma_semaphore, #tpu.memory_space<semaphore_mem>>) src(%dma_wait3A_91 : memref<41x128xi32, #tpu.memory_space<hbm>>) dst(%arg6 : memref<41x128xi32, #tpu.memory_space<vmem>>)
      tpu.yield
    }) : () -> ()
    %run_scoped3A_27 = arith.constant 0 : i32
    "tpu.region"() ({
      %run_scoped3A_75 = tpu.sem_alloc : memref<!tpu.dma_semaphore, #tpu.memory_space<semaphore_mem>>
      %dma_start3A_76 = arith.constant 0 : i32
      %dma_start3A_77 = arith.constant 0 : i32
      %dma_start3A_78 = tpu.memref_slice %arg3[%add3A, %run_scoped3A_27, %dma_start3A_76, %dma_start3A_77] : memref<32x2x41x128xi32, #tpu.memory_space<hbm>> -> memref<1x1x41x128xi32, #tpu.memory_space<hbm>>
      %dma_start3A_79 = tpu.memref_squeeze %dma_start3A_78 : memref<1x1x41x128xi32, #tpu.memory_space<hbm>> -> memref<41x128xi32, #tpu.memory_space<hbm>>
      %dma_start3A_80 = arith.constant 0 : i32
      %dma_start3A_81 = arith.constant 0 : i32
      %dma_start3A_82 = tpu.memref_slice %arg3[%add3A, %run_scoped3A_27, %dma_start3A_80, %dma_start3A_81] : memref<32x2x41x128xi32, #tpu.memory_space<hbm>> -> memref<1x1x41x128xi32, #tpu.memory_space<hbm>>
      %dma_start3A_83 = tpu.memref_squeeze %dma_start3A_82 : memref<1x1x41x128xi32, #tpu.memory_space<hbm>> -> memref<41x128xi32, #tpu.memory_space<hbm>>
      tpu.enqueue_dma source(%dma_start3A_83 : memref<41x128xi32, #tpu.memory_space<hbm>>) target(%arg7 : memref<41x128xi32, #tpu.memory_space<vmem>>) target_semaphore(%run_scoped3A_75 : memref<!tpu.dma_semaphore, #tpu.memory_space<semaphore_mem>>)
      %dma_wait3A_84 = arith.constant 0 : i32
      %dma_wait3A_85 = arith.constant 0 : i32
      %dma_wait3A_86 = tpu.memref_slice %arg3[%add3A, %run_scoped3A_27, %dma_wait3A_84, %dma_wait3A_85] : memref<32x2x41x128xi32, #tpu.memory_space<hbm>> -> memref<1x1x41x128xi32, #tpu.memory_space<hbm>>
      %dma_wait3A_87 = tpu.memref_squeeze %dma_wait3A_86 : memref<1x1x41x128xi32, #tpu.memory_space<hbm>> -> memref<41x128xi32, #tpu.memory_space<hbm>>
      %dma_wait3A_88 = arith.constant 0 : i32
      %dma_wait3A_89 = arith.constant 0 : i32
      %dma_wait3A_90 = tpu.memref_slice %arg3[%add3A, %run_scoped3A_27, %dma_wait3A_88, %dma_wait3A_89] : memref<32x2x41x128xi32, #tpu.memory_space<hbm>> -> memref<1x1x41x128xi32, #tpu.memory_space<hbm>>
      %dma_wait3A_91 = tpu.memref_squeeze %dma_wait3A_90 : memref<1x1x41x128xi32, #tpu.memory_space<hbm>> -> memref<41x128xi32, #tpu.memory_space<hbm>>
      tpu.wait_dma2 semaphore(%run_scoped3A_75 : memref<!tpu.dma_semaphore, #tpu.memory_space<semaphore_mem>>) src(%dma_wait3A_91 : memref<41x128xi32, #tpu.memory_space<hbm>>) dst(%arg7 : memref<41x128xi32, #tpu.memory_space<vmem>>)
      tpu.yield
    }) : () -> ()
    %dma_start3A = arith.constant 0 : i32
    %dma_start3A_28 = arith.constant 0 : i32
    %dma_start3A_29 = tpu.memref_slice %arg6[%dma_start3A, %dma_start3A_28] : memref<41x128xi32, #tpu.memory_space<vmem>> -> memref<1x128xi32, #tpu.memory_space<vmem>>
    %dma_start3A_30 = tpu.memref_squeeze %dma_start3A_29 : memref<1x128xi32, #tpu.memory_space<vmem>> -> memref<128xi32, #tpu.memory_space<vmem>>
    %dma_start3A_31 = arith.constant 0 : i32
    %dma_start3A_32 = arith.constant 0 : i32
    %dma_start3A_33 = tpu.memref_slice %arg4[%dma_start3A_31, %dma_start3A_32] : memref<10000x128xf32, #tpu.memory_space<hbm>> -> memref<10000x128xf32, #tpu.memory_space<hbm>>
    tpu.enqueue_indirect_dma source(%dma_start3A_33 : memref<10000x128xf32, #tpu.memory_space<hbm>>) target(%arg8 : memref<128x128xf32, #tpu.memory_space<vmem>>) offsets(%dma_start3A_30 : memref<128xi32, #tpu.memory_space<vmem>>) semaphore(%arg11 : memref<!tpu.dma_semaphore, #tpu.memory_space<semaphore_mem>>)
    %scan3A_34 = arith.constant 0 : i32
    %scan3A_35 = arith.constant 0 : i32
    %scan3A_36 = arith.constant 20 : i32
    %scan3A_37 = arith.addi %scan3A_35, %scan3A_36 : i32
    %scan3A_38 = arith.constant 1 : i32
    scf.for %scan3A_75 = %scan3A_35 to %scan3A_37 step %scan3A_38  : i32 {
      %mul3A_76 = arith.constant 2 : i32
      %mul3A_77 = arith.muli %mul3A_76, %scan3A_75 : i32
      %dma_wait3A_78 = arith.constant 0 : i32
      %dma_wait3A_79 = tpu.memref_slice %arg6[%mul3A_77, %dma_wait3A_78] : memref<41x128xi32, #tpu.memory_space<vmem>> -> memref<1x128xi32, #tpu.memory_space<vmem>>
      %dma_wait3A_80 = tpu.memref_squeeze %dma_wait3A_79 : memref<1x128xi32, #tpu.memory_space<vmem>> -> memref<128xi32, #tpu.memory_space<vmem>>
      %dma_wait3A_81 = arith.constant 0 : i32
      %dma_wait3A_82 = arith.constant 0 : i32
      %dma_wait3A_83 = tpu.memref_slice %arg4[%dma_wait3A_81, %dma_wait3A_82] : memref<10000x128xf32, #tpu.memory_space<hbm>> -> memref<10000x128xf32, #tpu.memory_space<hbm>>
      tpu.wait_indirect_dma semaphore(%arg11 : memref<!tpu.dma_semaphore, #tpu.memory_space<semaphore_mem>>) src(%dma_wait3A_83 : memref<10000x128xf32, #tpu.memory_space<hbm>>) dst(%arg8 : memref<128x128xf32, #tpu.memory_space<vmem>>)
      %add3A_84 = arith.constant 1 : i32
      %add3A_85 = arith.addi %mul3A_77, %add3A_84 : i32
      %dma_start3A_86 = arith.constant 0 : i32
      %dma_start3A_87 = tpu.memref_slice %arg6[%add3A_85, %dma_start3A_86] : memref<41x128xi32, #tpu.memory_space<vmem>> -> memref<1x128xi32, #tpu.memory_space<vmem>>
      %dma_start3A_88 = tpu.memref_squeeze %dma_start3A_87 : memref<1x128xi32, #tpu.memory_space<vmem>> -> memref<128xi32, #tpu.memory_space<vmem>>
      %dma_start3A_89 = arith.constant 0 : i32
      %dma_start3A_90 = arith.constant 0 : i32
      %dma_start3A_91 = tpu.memref_slice %arg4[%dma_start3A_89, %dma_start3A_90] : memref<10000x128xf32, #tpu.memory_space<hbm>> -> memref<10000x128xf32, #tpu.memory_space<hbm>>
      tpu.enqueue_indirect_dma source(%dma_start3A_91 : memref<10000x128xf32, #tpu.memory_space<hbm>>) target(%arg9 : memref<128x128xf32, #tpu.memory_space<vmem>>) offsets(%dma_start3A_88 : memref<128xi32, #tpu.memory_space<vmem>>) semaphore(%arg11 : memref<!tpu.dma_semaphore, #tpu.memory_space<semaphore_mem>>)
      "tpu.region"() ({
        %run_scoped3A_106 = tpu.sem_alloc : memref<!tpu.dma_semaphore, #tpu.memory_space<semaphore_mem>>
        %dma_start3A_107 = arith.constant 0 : i32
        %dma_start3A_108 = tpu.memref_slice %arg7[%mul3A_77, %dma_start3A_107] : memref<41x128xi32, #tpu.memory_space<vmem>> -> memref<1x128xi32, #tpu.memory_space<vmem>>
        %dma_start3A_109 = tpu.memref_squeeze %dma_start3A_108 : memref<1x128xi32, #tpu.memory_space<vmem>> -> memref<128xi32, #tpu.memory_space<vmem>>
        %dma_start3A_110 = arith.constant 0 : i32
        %dma_start3A_111 = arith.constant 0 : i32
        %dma_start3A_112 = tpu.memref_slice %arg10[%dma_start3A_110, %dma_start3A_111] : memref<10240x128xf32, #tpu.memory_space<vmem_shared>> -> memref<10240x128xf32, #tpu.memory_space<vmem_shared>>
        tpu.enqueue_indirect_dma source(%arg8 : memref<128x128xf32, #tpu.memory_space<vmem>>) target(%dma_start3A_112 : memref<10240x128xf32, #tpu.memory_space<vmem_shared>>) offsets(%dma_start3A_109 : memref<128xi32, #tpu.memory_space<vmem>>) semaphore(%run_scoped3A_106 : memref<!tpu.dma_semaphore, #tpu.memory_space<semaphore_mem>>) {add = true}
        %dma_wait3A_113 = arith.constant 0 : i32
        %dma_wait3A_114 = tpu.memref_slice %arg7[%mul3A_77, %dma_wait3A_113] : memref<41x128xi32, #tpu.memory_space<vmem>> -> memref<1x128xi32, #tpu.memory_space<vmem>>
        %dma_wait3A_115 = tpu.memref_squeeze %dma_wait3A_114 : memref<1x128xi32, #tpu.memory_space<vmem>> -> memref<128xi32, #tpu.memory_space<vmem>>
        %dma_wait3A_116 = arith.constant 0 : i32
        %dma_wait3A_117 = arith.constant 0 : i32
        %dma_wait3A_118 = tpu.memref_slice %arg10[%dma_wait3A_116, %dma_wait3A_117] : memref<10240x128xf32, #tpu.memory_space<vmem_shared>> -> memref<10240x128xf32, #tpu.memory_space<vmem_shared>>
        tpu.wait_indirect_dma semaphore(%run_scoped3A_106 : memref<!tpu.dma_semaphore, #tpu.memory_space<semaphore_mem>>) src(%arg8 : memref<128x128xf32, #tpu.memory_space<vmem>>) dst(%dma_wait3A_118 : memref<10240x128xf32, #tpu.memory_space<vmem_shared>>)
        tpu.yield
      }) : () -> ()
      %add3A_92 = arith.constant 1 : i32
      %add3A_93 = arith.addi %mul3A_77, %add3A_92 : i32
      %dma_wait3A_94 = arith.constant 0 : i32
      %dma_wait3A_95 = tpu.memref_slice %arg6[%add3A_93, %dma_wait3A_94] : memref<41x128xi32, #tpu.memory_space<vmem>> -> memref<1x128xi32, #tpu.memory_space<vmem>>
      %dma_wait3A_96 = tpu.memref_squeeze %dma_wait3A_95 : memref<1x128xi32, #tpu.memory_space<vmem>> -> memref<128xi32, #tpu.memory_space<vmem>>
      %dma_wait3A_97 = arith.constant 0 : i32
      %dma_wait3A_98 = arith.constant 0 : i32
      %dma_wait3A_99 = tpu.memref_slice %arg4[%dma_wait3A_97, %dma_wait3A_98] : memref<10000x128xf32, #tpu.memory_space<hbm>> -> memref<10000x128xf32, #tpu.memory_space<hbm>>
      tpu.wait_indirect_dma semaphore(%arg11 : memref<!tpu.dma_semaphore, #tpu.memory_space<semaphore_mem>>) src(%dma_wait3A_99 : memref<10000x128xf32, #tpu.memory_space<hbm>>) dst(%arg9 : memref<128x128xf32, #tpu.memory_space<vmem>>)
      %add3A_100 = arith.constant 2 : i32
      %add3A_101 = arith.addi %mul3A_77, %add3A_100 : i32
      %lt3A = arith.constant 41 : i32
      %lt3A_102 = arith.cmpi slt, %add3A_101, %lt3A : i32
      %convert_element_type3A = arith.extui %lt3A_102 : i1 to i32
      %cond3A = arith.constant 0 : i32
      %cond3A_103 = arith.cmpi ne, %convert_element_type3A, %cond3A : i32
      scf.if %cond3A_103 {
        %add3A_106 = arith.constant 2 : i32
        %add3A_107 = arith.addi %mul3A_77, %add3A_106 : i32
        %dma_start3A_108 = arith.constant 0 : i32
        %dma_start3A_109 = tpu.memref_slice %arg6[%add3A_107, %dma_start3A_108] : memref<41x128xi32, #tpu.memory_space<vmem>> -> memref<1x128xi32, #tpu.memory_space<vmem>>
        %dma_start3A_110 = tpu.memref_squeeze %dma_start3A_109 : memref<1x128xi32, #tpu.memory_space<vmem>> -> memref<128xi32, #tpu.memory_space<vmem>>
        %dma_start3A_111 = arith.constant 0 : i32
        %dma_start3A_112 = arith.constant 0 : i32
        %dma_start3A_113 = tpu.memref_slice %arg4[%dma_start3A_111, %dma_start3A_112] : memref<10000x128xf32, #tpu.memory_space<hbm>> -> memref<10000x128xf32, #tpu.memory_space<hbm>>
        tpu.enqueue_indirect_dma source(%dma_start3A_113 : memref<10000x128xf32, #tpu.memory_space<hbm>>) target(%arg8 : memref<128x128xf32, #tpu.memory_space<vmem>>) offsets(%dma_start3A_110 : memref<128xi32, #tpu.memory_space<vmem>>) semaphore(%arg11 : memref<!tpu.dma_semaphore, #tpu.memory_space<semaphore_mem>>)
      } else {
      }
      %add3A_104 = arith.constant 1 : i32
      %add3A_105 = arith.addi %mul3A_77, %add3A_104 : i32
      "tpu.region"() ({
        %run_scoped3A_106 = tpu.sem_alloc : memref<!tpu.dma_semaphore, #tpu.memory_space<semaphore_mem>>
        %dma_start3A_107 = arith.constant 0 : i32
        %dma_start3A_108 = tpu.memref_slice %arg7[%add3A_105, %dma_start3A_107] : memref<41x128xi32, #tpu.memory_space<vmem>> -> memref<1x128xi32, #tpu.memory_space<vmem>>
        %dma_start3A_109 = tpu.memref_squeeze %dma_start3A_108 : memref<1x128xi32, #tpu.memory_space<vmem>> -> memref<128xi32, #tpu.memory_space<vmem>>
        %dma_start3A_110 = arith.constant 0 : i32
        %dma_start3A_111 = arith.constant 0 : i32
        %dma_start3A_112 = tpu.memref_slice %arg10[%dma_start3A_110, %dma_start3A_111] : memref<10240x128xf32, #tpu.memory_space<vmem_shared>> -> memref<10240x128xf32, #tpu.memory_space<vmem_shared>>
        tpu.enqueue_indirect_dma source(%arg9 : memref<128x128xf32, #tpu.memory_space<vmem>>) target(%dma_start3A_112 : memref<10240x128xf32, #tpu.memory_space<vmem_shared>>) offsets(%dma_start3A_109 : memref<128xi32, #tpu.memory_space<vmem>>) semaphore(%run_scoped3A_106 : memref<!tpu.dma_semaphore, #tpu.memory_space<semaphore_mem>>) {add = true}
        %dma_wait3A_113 = arith.constant 0 : i32
        %dma_wait3A_114 = tpu.memref_slice %arg7[%add3A_105, %dma_wait3A_113] : memref<41x128xi32, #tpu.memory_space<vmem>> -> memref<1x128xi32, #tpu.memory_space<vmem>>
        %dma_wait3A_115 = tpu.memref_squeeze %dma_wait3A_114 : memref<1x128xi32, #tpu.memory_space<vmem>> -> memref<128xi32, #tpu.memory_space<vmem>>
        %dma_wait3A_116 = arith.constant 0 : i32
        %dma_wait3A_117 = arith.constant 0 : i32
        %dma_wait3A_118 = tpu.memref_slice %arg10[%dma_wait3A_116, %dma_wait3A_117] : memref<10240x128xf32, #tpu.memory_space<vmem_shared>> -> memref<10240x128xf32, #tpu.memory_space<vmem_shared>>
        tpu.wait_indirect_dma semaphore(%run_scoped3A_106 : memref<!tpu.dma_semaphore, #tpu.memory_space<semaphore_mem>>) src(%arg9 : memref<128x128xf32, #tpu.memory_space<vmem>>) dst(%dma_wait3A_118 : memref<10240x128xf32, #tpu.memory_space<vmem_shared>>)
        tpu.yield
      }) : () -> ()
    }
    %scan3A_39 = arith.constant 20 : i32
    %dma_wait3A = arith.constant 40 : i32
    %dma_wait3A_40 = arith.constant 0 : i32
    %dma_wait3A_41 = tpu.memref_slice %arg6[%dma_wait3A, %dma_wait3A_40] : memref<41x128xi32, #tpu.memory_space<vmem>> -> memref<1x128xi32, #tpu.memory_space<vmem>>
    %dma_wait3A_42 = tpu.memref_squeeze %dma_wait3A_41 : memref<1x128xi32, #tpu.memory_space<vmem>> -> memref<128xi32, #tpu.memory_space<vmem>>
    %dma_wait3A_43 = arith.constant 0 : i32
    %dma_wait3A_44 = arith.constant 0 : i32
    %dma_wait3A_45 = tpu.memref_slice %arg4[%dma_wait3A_43, %dma_wait3A_44] : memref<10000x128xf32, #tpu.memory_space<hbm>> -> memref<10000x128xf32, #tpu.memory_space<hbm>>
    tpu.wait_indirect_dma semaphore(%arg11 : memref<!tpu.dma_semaphore, #tpu.memory_space<semaphore_mem>>) src(%dma_wait3A_45 : memref<10000x128xf32, #tpu.memory_space<hbm>>) dst(%arg8 : memref<128x128xf32, #tpu.memory_space<vmem>>)
    %run_scoped3A_46 = arith.constant 40 : i32
    "tpu.region"() ({
      %run_scoped3A_75 = tpu.sem_alloc : memref<!tpu.dma_semaphore, #tpu.memory_space<semaphore_mem>>
      %dma_start3A_76 = arith.constant 0 : i32
      %dma_start3A_77 = tpu.memref_slice %arg7[%run_scoped3A_46, %dma_start3A_76] : memref<41x128xi32, #tpu.memory_space<vmem>> -> memref<1x128xi32, #tpu.memory_space<vmem>>
      %dma_start3A_78 = tpu.memref_squeeze %dma_start3A_77 : memref<1x128xi32, #tpu.memory_space<vmem>> -> memref<128xi32, #tpu.memory_space<vmem>>
      %dma_start3A_79 = arith.constant 0 : i32
      %dma_start3A_80 = arith.constant 0 : i32
      %dma_start3A_81 = tpu.memref_slice %arg10[%dma_start3A_79, %dma_start3A_80] : memref<10240x128xf32, #tpu.memory_space<vmem_shared>> -> memref<10240x128xf32, #tpu.memory_space<vmem_shared>>
      tpu.enqueue_indirect_dma source(%arg8 : memref<128x128xf32, #tpu.memory_space<vmem>>) target(%dma_start3A_81 : memref<10240x128xf32, #tpu.memory_space<vmem_shared>>) offsets(%dma_start3A_78 : memref<128xi32, #tpu.memory_space<vmem>>) semaphore(%run_scoped3A_75 : memref<!tpu.dma_semaphore, #tpu.memory_space<semaphore_mem>>) {add = true}
      %dma_wait3A_82 = arith.constant 0 : i32
      %dma_wait3A_83 = tpu.memref_slice %arg7[%run_scoped3A_46, %dma_wait3A_82] : memref<41x128xi32, #tpu.memory_space<vmem>> -> memref<1x128xi32, #tpu.memory_space<vmem>>
      %dma_wait3A_84 = tpu.memref_squeeze %dma_wait3A_83 : memref<1x128xi32, #tpu.memory_space<vmem>> -> memref<128xi32, #tpu.memory_space<vmem>>
      %dma_wait3A_85 = arith.constant 0 : i32
      %dma_wait3A_86 = arith.constant 0 : i32
      %dma_wait3A_87 = tpu.memref_slice %arg10[%dma_wait3A_85, %dma_wait3A_86] : memref<10240x128xf32, #tpu.memory_space<vmem_shared>> -> memref<10240x128xf32, #tpu.memory_space<vmem_shared>>
      tpu.wait_indirect_dma semaphore(%run_scoped3A_75 : memref<!tpu.dma_semaphore, #tpu.memory_space<semaphore_mem>>) src(%arg8 : memref<128x128xf32, #tpu.memory_space<vmem>>) dst(%dma_wait3A_87 : memref<10240x128xf32, #tpu.memory_space<vmem_shared>>)
      tpu.yield
    }) : () -> ()
    %run_scoped3A_47 = arith.constant 1 : i32
    "tpu.region"() ({
      %run_scoped3A_75 = tpu.sem_alloc : memref<!tpu.dma_semaphore, #tpu.memory_space<semaphore_mem>>
      %dma_start3A_76 = arith.constant 0 : i32
      %dma_start3A_77 = arith.constant 0 : i32
      %dma_start3A_78 = tpu.memref_slice %arg2[%add3A, %run_scoped3A_47, %dma_start3A_76, %dma_start3A_77] : memref<32x2x41x128xi32, #tpu.memory_space<hbm>> -> memref<1x1x41x128xi32, #tpu.memory_space<hbm>>
      %dma_start3A_79 = tpu.memref_squeeze %dma_start3A_78 : memref<1x1x41x128xi32, #tpu.memory_space<hbm>> -> memref<41x128xi32, #tpu.memory_space<hbm>>
      %dma_start3A_80 = arith.constant 0 : i32
      %dma_start3A_81 = arith.constant 0 : i32
      %dma_start3A_82 = tpu.memref_slice %arg2[%add3A, %run_scoped3A_47, %dma_start3A_80, %dma_start3A_81] : memref<32x2x41x128xi32, #tpu.memory_space<hbm>> -> memref<1x1x41x128xi32, #tpu.memory_space<hbm>>
      %dma_start3A_83 = tpu.memref_squeeze %dma_start3A_82 : memref<1x1x41x128xi32, #tpu.memory_space<hbm>> -> memref<41x128xi32, #tpu.memory_space<hbm>>
      tpu.enqueue_dma source(%dma_start3A_83 : memref<41x128xi32, #tpu.memory_space<hbm>>) target(%arg6 : memref<41x128xi32, #tpu.memory_space<vmem>>) target_semaphore(%run_scoped3A_75 : memref<!tpu.dma_semaphore, #tpu.memory_space<semaphore_mem>>)
      %dma_wait3A_84 = arith.constant 0 : i32
      %dma_wait3A_85 = arith.constant 0 : i32
      %dma_wait3A_86 = tpu.memref_slice %arg2[%add3A, %run_scoped3A_47, %dma_wait3A_84, %dma_wait3A_85] : memref<32x2x41x128xi32, #tpu.memory_space<hbm>> -> memref<1x1x41x128xi32, #tpu.memory_space<hbm>>
      %dma_wait3A_87 = tpu.memref_squeeze %dma_wait3A_86 : memref<1x1x41x128xi32, #tpu.memory_space<hbm>> -> memref<41x128xi32, #tpu.memory_space<hbm>>
      %dma_wait3A_88 = arith.constant 0 : i32
      %dma_wait3A_89 = arith.constant 0 : i32
      %dma_wait3A_90 = tpu.memref_slice %arg2[%add3A, %run_scoped3A_47, %dma_wait3A_88, %dma_wait3A_89] : memref<32x2x41x128xi32, #tpu.memory_space<hbm>> -> memref<1x1x41x128xi32, #tpu.memory_space<hbm>>
      %dma_wait3A_91 = tpu.memref_squeeze %dma_wait3A_90 : memref<1x1x41x128xi32, #tpu.memory_space<hbm>> -> memref<41x128xi32, #tpu.memory_space<hbm>>
      tpu.wait_dma2 semaphore(%run_scoped3A_75 : memref<!tpu.dma_semaphore, #tpu.memory_space<semaphore_mem>>) src(%dma_wait3A_91 : memref<41x128xi32, #tpu.memory_space<hbm>>) dst(%arg6 : memref<41x128xi32, #tpu.memory_space<vmem>>)
      tpu.yield
    }) : () -> ()
    %run_scoped3A_48 = arith.constant 1 : i32
    "tpu.region"() ({
      %run_scoped3A_75 = tpu.sem_alloc : memref<!tpu.dma_semaphore, #tpu.memory_space<semaphore_mem>>
      %dma_start3A_76 = arith.constant 0 : i32
      %dma_start3A_77 = arith.constant 0 : i32
      %dma_start3A_78 = tpu.memref_slice %arg3[%add3A, %run_scoped3A_48, %dma_start3A_76, %dma_start3A_77] : memref<32x2x41x128xi32, #tpu.memory_space<hbm>> -> memref<1x1x41x128xi32, #tpu.memory_space<hbm>>
      %dma_start3A_79 = tpu.memref_squeeze %dma_start3A_78 : memref<1x1x41x128xi32, #tpu.memory_space<hbm>> -> memref<41x128xi32, #tpu.memory_space<hbm>>
      %dma_start3A_80 = arith.constant 0 : i32
      %dma_start3A_81 = arith.constant 0 : i32
      %dma_start3A_82 = tpu.memref_slice %arg3[%add3A, %run_scoped3A_48, %dma_start3A_80, %dma_start3A_81] : memref<32x2x41x128xi32, #tpu.memory_space<hbm>> -> memref<1x1x41x128xi32, #tpu.memory_space<hbm>>
      %dma_start3A_83 = tpu.memref_squeeze %dma_start3A_82 : memref<1x1x41x128xi32, #tpu.memory_space<hbm>> -> memref<41x128xi32, #tpu.memory_space<hbm>>
      tpu.enqueue_dma source(%dma_start3A_83 : memref<41x128xi32, #tpu.memory_space<hbm>>) target(%arg7 : memref<41x128xi32, #tpu.memory_space<vmem>>) target_semaphore(%run_scoped3A_75 : memref<!tpu.dma_semaphore, #tpu.memory_space<semaphore_mem>>)
      %dma_wait3A_84 = arith.constant 0 : i32
      %dma_wait3A_85 = arith.constant 0 : i32
      %dma_wait3A_86 = tpu.memref_slice %arg3[%add3A, %run_scoped3A_48, %dma_wait3A_84, %dma_wait3A_85] : memref<32x2x41x128xi32, #tpu.memory_space<hbm>> -> memref<1x1x41x128xi32, #tpu.memory_space<hbm>>
      %dma_wait3A_87 = tpu.memref_squeeze %dma_wait3A_86 : memref<1x1x41x128xi32, #tpu.memory_space<hbm>> -> memref<41x128xi32, #tpu.memory_space<hbm>>
      %dma_wait3A_88 = arith.constant 0 : i32
      %dma_wait3A_89 = arith.constant 0 : i32
      %dma_wait3A_90 = tpu.memref_slice %arg3[%add3A, %run_scoped3A_48, %dma_wait3A_88, %dma_wait3A_89] : memref<32x2x41x128xi32, #tpu.memory_space<hbm>> -> memref<1x1x41x128xi32, #tpu.memory_space<hbm>>
      %dma_wait3A_91 = tpu.memref_squeeze %dma_wait3A_90 : memref<1x1x41x128xi32, #tpu.memory_space<hbm>> -> memref<41x128xi32, #tpu.memory_space<hbm>>
      tpu.wait_dma2 semaphore(%run_scoped3A_75 : memref<!tpu.dma_semaphore, #tpu.memory_space<semaphore_mem>>) src(%dma_wait3A_91 : memref<41x128xi32, #tpu.memory_space<hbm>>) dst(%arg7 : memref<41x128xi32, #tpu.memory_space<vmem>>)
      tpu.yield
    }) : () -> ()
    %dma_start3A_49 = arith.constant 0 : i32
    %dma_start3A_50 = arith.constant 0 : i32
    %dma_start3A_51 = tpu.memref_slice %arg6[%dma_start3A_49, %dma_start3A_50] : memref<41x128xi32, #tpu.memory_space<vmem>> -> memref<1x128xi32, #tpu.memory_space<vmem>>
    %dma_start3A_52 = tpu.memref_squeeze %dma_start3A_51 : memref<1x128xi32, #tpu.memory_space<vmem>> -> memref<128xi32, #tpu.memory_space<vmem>>
    %dma_start3A_53 = arith.constant 0 : i32
    %dma_start3A_54 = arith.constant 0 : i32
    %dma_start3A_55 = tpu.memref_slice %arg4[%dma_start3A_53, %dma_start3A_54] : memref<10000x128xf32, #tpu.memory_space<hbm>> -> memref<10000x128xf32, #tpu.memory_space<hbm>>
    tpu.enqueue_indirect_dma source(%dma_start3A_55 : memref<10000x128xf32, #tpu.memory_space<hbm>>) target(%arg8 : memref<128x128xf32, #tpu.memory_space<vmem>>) offsets(%dma_start3A_52 : memref<128xi32, #tpu.memory_space<vmem>>) semaphore(%arg11 : memref<!tpu.dma_semaphore, #tpu.memory_space<semaphore_mem>>)
    %scan3A_56 = arith.constant 0 : i32
    %scan3A_57 = arith.constant 0 : i32
    %scan3A_58 = arith.constant 20 : i32
    %scan3A_59 = arith.addi %scan3A_57, %scan3A_58 : i32
    %scan3A_60 = arith.constant 1 : i32
    scf.for %scan3A_75 = %scan3A_57 to %scan3A_59 step %scan3A_60  : i32 {
      %mul3A_76 = arith.constant 2 : i32
      %mul3A_77 = arith.muli %mul3A_76, %scan3A_75 : i32
      %dma_wait3A_78 = arith.constant 0 : i32
      %dma_wait3A_79 = tpu.memref_slice %arg6[%mul3A_77, %dma_wait3A_78] : memref<41x128xi32, #tpu.memory_space<vmem>> -> memref<1x128xi32, #tpu.memory_space<vmem>>
      %dma_wait3A_80 = tpu.memref_squeeze %dma_wait3A_79 : memref<1x128xi32, #tpu.memory_space<vmem>> -> memref<128xi32, #tpu.memory_space<vmem>>
      %dma_wait3A_81 = arith.constant 0 : i32
      %dma_wait3A_82 = arith.constant 0 : i32
      %dma_wait3A_83 = tpu.memref_slice %arg4[%dma_wait3A_81, %dma_wait3A_82] : memref<10000x128xf32, #tpu.memory_space<hbm>> -> memref<10000x128xf32, #tpu.memory_space<hbm>>
      tpu.wait_indirect_dma semaphore(%arg11 : memref<!tpu.dma_semaphore, #tpu.memory_space<semaphore_mem>>) src(%dma_wait3A_83 : memref<10000x128xf32, #tpu.memory_space<hbm>>) dst(%arg8 : memref<128x128xf32, #tpu.memory_space<vmem>>)
      %add3A_84 = arith.constant 1 : i32
      %add3A_85 = arith.addi %mul3A_77, %add3A_84 : i32
      %dma_start3A_86 = arith.constant 0 : i32
      %dma_start3A_87 = tpu.memref_slice %arg6[%add3A_85, %dma_start3A_86] : memref<41x128xi32, #tpu.memory_space<vmem>> -> memref<1x128xi32, #tpu.memory_space<vmem>>
      %dma_start3A_88 = tpu.memref_squeeze %dma_start3A_87 : memref<1x128xi32, #tpu.memory_space<vmem>> -> memref<128xi32, #tpu.memory_space<vmem>>
      %dma_start3A_89 = arith.constant 0 : i32
      %dma_start3A_90 = arith.constant 0 : i32
      %dma_start3A_91 = tpu.memref_slice %arg4[%dma_start3A_89, %dma_start3A_90] : memref<10000x128xf32, #tpu.memory_space<hbm>> -> memref<10000x128xf32, #tpu.memory_space<hbm>>
      tpu.enqueue_indirect_dma source(%dma_start3A_91 : memref<10000x128xf32, #tpu.memory_space<hbm>>) target(%arg9 : memref<128x128xf32, #tpu.memory_space<vmem>>) offsets(%dma_start3A_88 : memref<128xi32, #tpu.memory_space<vmem>>) semaphore(%arg11 : memref<!tpu.dma_semaphore, #tpu.memory_space<semaphore_mem>>)
      "tpu.region"() ({
        %run_scoped3A_106 = tpu.sem_alloc : memref<!tpu.dma_semaphore, #tpu.memory_space<semaphore_mem>>
        %dma_start3A_107 = arith.constant 0 : i32
        %dma_start3A_108 = tpu.memref_slice %arg7[%mul3A_77, %dma_start3A_107] : memref<41x128xi32, #tpu.memory_space<vmem>> -> memref<1x128xi32, #tpu.memory_space<vmem>>
        %dma_start3A_109 = tpu.memref_squeeze %dma_start3A_108 : memref<1x128xi32, #tpu.memory_space<vmem>> -> memref<128xi32, #tpu.memory_space<vmem>>
        %dma_start3A_110 = arith.constant 0 : i32
        %dma_start3A_111 = arith.constant 0 : i32
        %dma_start3A_112 = tpu.memref_slice %arg10[%dma_start3A_110, %dma_start3A_111] : memref<10240x128xf32, #tpu.memory_space<vmem_shared>> -> memref<10240x128xf32, #tpu.memory_space<vmem_shared>>
        tpu.enqueue_indirect_dma source(%arg8 : memref<128x128xf32, #tpu.memory_space<vmem>>) target(%dma_start3A_112 : memref<10240x128xf32, #tpu.memory_space<vmem_shared>>) offsets(%dma_start3A_109 : memref<128xi32, #tpu.memory_space<vmem>>) semaphore(%run_scoped3A_106 : memref<!tpu.dma_semaphore, #tpu.memory_space<semaphore_mem>>) {add = true}
        %dma_wait3A_113 = arith.constant 0 : i32
        %dma_wait3A_114 = tpu.memref_slice %arg7[%mul3A_77, %dma_wait3A_113] : memref<41x128xi32, #tpu.memory_space<vmem>> -> memref<1x128xi32, #tpu.memory_space<vmem>>
        %dma_wait3A_115 = tpu.memref_squeeze %dma_wait3A_114 : memref<1x128xi32, #tpu.memory_space<vmem>> -> memref<128xi32, #tpu.memory_space<vmem>>
        %dma_wait3A_116 = arith.constant 0 : i32
        %dma_wait3A_117 = arith.constant 0 : i32
        %dma_wait3A_118 = tpu.memref_slice %arg10[%dma_wait3A_116, %dma_wait3A_117] : memref<10240x128xf32, #tpu.memory_space<vmem_shared>> -> memref<10240x128xf32, #tpu.memory_space<vmem_shared>>
        tpu.wait_indirect_dma semaphore(%run_scoped3A_106 : memref<!tpu.dma_semaphore, #tpu.memory_space<semaphore_mem>>) src(%arg8 : memref<128x128xf32, #tpu.memory_space<vmem>>) dst(%dma_wait3A_118 : memref<10240x128xf32, #tpu.memory_space<vmem_shared>>)
        tpu.yield
      }) : () -> ()
      %add3A_92 = arith.constant 1 : i32
      %add3A_93 = arith.addi %mul3A_77, %add3A_92 : i32
      %dma_wait3A_94 = arith.constant 0 : i32
      %dma_wait3A_95 = tpu.memref_slice %arg6[%add3A_93, %dma_wait3A_94] : memref<41x128xi32, #tpu.memory_space<vmem>> -> memref<1x128xi32, #tpu.memory_space<vmem>>
      %dma_wait3A_96 = tpu.memref_squeeze %dma_wait3A_95 : memref<1x128xi32, #tpu.memory_space<vmem>> -> memref<128xi32, #tpu.memory_space<vmem>>
      %dma_wait3A_97 = arith.constant 0 : i32
      %dma_wait3A_98 = arith.constant 0 : i32
      %dma_wait3A_99 = tpu.memref_slice %arg4[%dma_wait3A_97, %dma_wait3A_98] : memref<10000x128xf32, #tpu.memory_space<hbm>> -> memref<10000x128xf32, #tpu.memory_space<hbm>>
      tpu.wait_indirect_dma semaphore(%arg11 : memref<!tpu.dma_semaphore, #tpu.memory_space<semaphore_mem>>) src(%dma_wait3A_99 : memref<10000x128xf32, #tpu.memory_space<hbm>>) dst(%arg9 : memref<128x128xf32, #tpu.memory_space<vmem>>)
      %add3A_100 = arith.constant 2 : i32
      %add3A_101 = arith.addi %mul3A_77, %add3A_100 : i32
      %lt3A = arith.constant 41 : i32
      %lt3A_102 = arith.cmpi slt, %add3A_101, %lt3A : i32
      %convert_element_type3A = arith.extui %lt3A_102 : i1 to i32
      %cond3A = arith.constant 0 : i32
      %cond3A_103 = arith.cmpi ne, %convert_element_type3A, %cond3A : i32
      scf.if %cond3A_103 {
        %add3A_106 = arith.constant 2 : i32
        %add3A_107 = arith.addi %mul3A_77, %add3A_106 : i32
        %dma_start3A_108 = arith.constant 0 : i32
        %dma_start3A_109 = tpu.memref_slice %arg6[%add3A_107, %dma_start3A_108] : memref<41x128xi32, #tpu.memory_space<vmem>> -> memref<1x128xi32, #tpu.memory_space<vmem>>
        %dma_start3A_110 = tpu.memref_squeeze %dma_start3A_109 : memref<1x128xi32, #tpu.memory_space<vmem>> -> memref<128xi32, #tpu.memory_space<vmem>>
        %dma_start3A_111 = arith.constant 0 : i32
        %dma_start3A_112 = arith.constant 0 : i32
        %dma_start3A_113 = tpu.memref_slice %arg4[%dma_start3A_111, %dma_start3A_112] : memref<10000x128xf32, #tpu.memory_space<hbm>> -> memref<10000x128xf32, #tpu.memory_space<hbm>>
        tpu.enqueue_indirect_dma source(%dma_start3A_113 : memref<10000x128xf32, #tpu.memory_space<hbm>>) target(%arg8 : memref<128x128xf32, #tpu.memory_space<vmem>>) offsets(%dma_start3A_110 : memref<128xi32, #tpu.memory_space<vmem>>) semaphore(%arg11 : memref<!tpu.dma_semaphore, #tpu.memory_space<semaphore_mem>>)
      } else {
      }
      %add3A_104 = arith.constant 1 : i32
      %add3A_105 = arith.addi %mul3A_77, %add3A_104 : i32
      "tpu.region"() ({
        %run_scoped3A_106 = tpu.sem_alloc : memref<!tpu.dma_semaphore, #tpu.memory_space<semaphore_mem>>
        %dma_start3A_107 = arith.constant 0 : i32
        %dma_start3A_108 = tpu.memref_slice %arg7[%add3A_105, %dma_start3A_107] : memref<41x128xi32, #tpu.memory_space<vmem>> -> memref<1x128xi32, #tpu.memory_space<vmem>>
        %dma_start3A_109 = tpu.memref_squeeze %dma_start3A_108 : memref<1x128xi32, #tpu.memory_space<vmem>> -> memref<128xi32, #tpu.memory_space<vmem>>
        %dma_start3A_110 = arith.constant 0 : i32
        %dma_start3A_111 = arith.constant 0 : i32
        %dma_start3A_112 = tpu.memref_slice %arg10[%dma_start3A_110, %dma_start3A_111] : memref<10240x128xf32, #tpu.memory_space<vmem_shared>> -> memref<10240x128xf32, #tpu.memory_space<vmem_shared>>
        tpu.enqueue_indirect_dma source(%arg9 : memref<128x128xf32, #tpu.memory_space<vmem>>) target(%dma_start3A_112 : memref<10240x128xf32, #tpu.memory_space<vmem_shared>>) offsets(%dma_start3A_109 : memref<128xi32, #tpu.memory_space<vmem>>) semaphore(%run_scoped3A_106 : memref<!tpu.dma_semaphore, #tpu.memory_space<semaphore_mem>>) {add = true}
        %dma_wait3A_113 = arith.constant 0 : i32
        %dma_wait3A_114 = tpu.memref_slice %arg7[%add3A_105, %dma_wait3A_113] : memref<41x128xi32, #tpu.memory_space<vmem>> -> memref<1x128xi32, #tpu.memory_space<vmem>>
        %dma_wait3A_115 = tpu.memref_squeeze %dma_wait3A_114 : memref<1x128xi32, #tpu.memory_space<vmem>> -> memref<128xi32, #tpu.memory_space<vmem>>
        %dma_wait3A_116 = arith.constant 0 : i32
        %dma_wait3A_117 = arith.constant 0 : i32
        %dma_wait3A_118 = tpu.memref_slice %arg10[%dma_wait3A_116, %dma_wait3A_117] : memref<10240x128xf32, #tpu.memory_space<vmem_shared>> -> memref<10240x128xf32, #tpu.memory_space<vmem_shared>>
        tpu.wait_indirect_dma semaphore(%run_scoped3A_106 : memref<!tpu.dma_semaphore, #tpu.memory_space<semaphore_mem>>) src(%arg9 : memref<128x128xf32, #tpu.memory_space<vmem>>) dst(%dma_wait3A_118 : memref<10240x128xf32, #tpu.memory_space<vmem_shared>>)
        tpu.yield
      }) : () -> ()
    }
    %scan3A_61 = arith.constant 20 : i32
    %dma_wait3A_62 = arith.constant 40 : i32
    %dma_wait3A_63 = arith.constant 0 : i32
    %dma_wait3A_64 = tpu.memref_slice %arg6[%dma_wait3A_62, %dma_wait3A_63] : memref<41x128xi32, #tpu.memory_space<vmem>> -> memref<1x128xi32, #tpu.memory_space<vmem>>
    %dma_wait3A_65 = tpu.memref_squeeze %dma_wait3A_64 : memref<1x128xi32, #tpu.memory_space<vmem>> -> memref<128xi32, #tpu.memory_space<vmem>>
    %dma_wait3A_66 = arith.constant 0 : i32
    %dma_wait3A_67 = arith.constant 0 : i32
    %dma_wait3A_68 = tpu.memref_slice %arg4[%dma_wait3A_66, %dma_wait3A_67] : memref<10000x128xf32, #tpu.memory_space<hbm>> -> memref<10000x128xf32, #tpu.memory_space<hbm>>
    tpu.wait_indirect_dma semaphore(%arg11 : memref<!tpu.dma_semaphore, #tpu.memory_space<semaphore_mem>>) src(%dma_wait3A_68 : memref<10000x128xf32, #tpu.memory_space<hbm>>) dst(%arg8 : memref<128x128xf32, #tpu.memory_space<vmem>>)
    %run_scoped3A_69 = arith.constant 40 : i32
    "tpu.region"() ({
      %run_scoped3A_75 = tpu.sem_alloc : memref<!tpu.dma_semaphore, #tpu.memory_space<semaphore_mem>>
      %dma_start3A_76 = arith.constant 0 : i32
      %dma_start3A_77 = tpu.memref_slice %arg7[%run_scoped3A_69, %dma_start3A_76] : memref<41x128xi32, #tpu.memory_space<vmem>> -> memref<1x128xi32, #tpu.memory_space<vmem>>
      %dma_start3A_78 = tpu.memref_squeeze %dma_start3A_77 : memref<1x128xi32, #tpu.memory_space<vmem>> -> memref<128xi32, #tpu.memory_space<vmem>>
      %dma_start3A_79 = arith.constant 0 : i32
      %dma_start3A_80 = arith.constant 0 : i32
      %dma_start3A_81 = tpu.memref_slice %arg10[%dma_start3A_79, %dma_start3A_80] : memref<10240x128xf32, #tpu.memory_space<vmem_shared>> -> memref<10240x128xf32, #tpu.memory_space<vmem_shared>>
      tpu.enqueue_indirect_dma source(%arg8 : memref<128x128xf32, #tpu.memory_space<vmem>>) target(%dma_start3A_81 : memref<10240x128xf32, #tpu.memory_space<vmem_shared>>) offsets(%dma_start3A_78 : memref<128xi32, #tpu.memory_space<vmem>>) semaphore(%run_scoped3A_75 : memref<!tpu.dma_semaphore, #tpu.memory_space<semaphore_mem>>) {add = true}
      %dma_wait3A_82 = arith.constant 0 : i32
      %dma_wait3A_83 = tpu.memref_slice %arg7[%run_scoped3A_69, %dma_wait3A_82] : memref<41x128xi32, #tpu.memory_space<vmem>> -> memref<1x128xi32, #tpu.memory_space<vmem>>
      %dma_wait3A_84 = tpu.memref_squeeze %dma_wait3A_83 : memref<1x128xi32, #tpu.memory_space<vmem>> -> memref<128xi32, #tpu.memory_space<vmem>>
      %dma_wait3A_85 = arith.constant 0 : i32
      %dma_wait3A_86 = arith.constant 0 : i32
      %dma_wait3A_87 = tpu.memref_slice %arg10[%dma_wait3A_85, %dma_wait3A_86] : memref<10240x128xf32, #tpu.memory_space<vmem_shared>> -> memref<10240x128xf32, #tpu.memory_space<vmem_shared>>
      tpu.wait_indirect_dma semaphore(%run_scoped3A_75 : memref<!tpu.dma_semaphore, #tpu.memory_space<semaphore_mem>>) src(%arg8 : memref<128x128xf32, #tpu.memory_space<vmem>>) dst(%dma_wait3A_87 : memref<10240x128xf32, #tpu.memory_space<vmem_shared>>)
      tpu.yield
    }) : () -> ()
    %barrier3A_70 = arith.constant 0 : index
    tpu.barrier barrier_id(%barrier3A_70)
    %mul3A_71 = arith.constant 640 : i32
    %mul3A_72 = arith.muli %arg1, %mul3A_71 : i32
    %mul3A_73 = arith.constant 640 : i32
    %mul3A_74 = arith.muli %arg1, %mul3A_73 : i32
    "tpu.region"() ({
      %run_scoped3A_75 = tpu.sem_alloc : memref<!tpu.dma_semaphore, #tpu.memory_space<semaphore_mem>>
      %dma_start3A_76 = arith.constant 0 : i32
      %dma_start3A_77 = tpu.memref_slice %arg5[%arg0, %mul3A_74, %dma_start3A_76] : memref<2x10240x128xf32, #tpu.memory_space<hbm>> -> memref<1x640x128xf32, #tpu.memory_space<hbm>>
      %dma_start3A_78 = tpu.memref_squeeze %dma_start3A_77 : memref<1x640x128xf32, #tpu.memory_space<hbm>> -> memref<640x128xf32, #tpu.memory_space<hbm>>
      %dma_start3A_79 = arith.constant 0 : i32
      %dma_start3A_80 = tpu.memref_slice %arg10[%mul3A_72, %dma_start3A_79] : memref<10240x128xf32, #tpu.memory_space<vmem_shared>> -> memref<640x128xf32, #tpu.memory_space<vmem_shared>>
      tpu.enqueue_dma source(%dma_start3A_80 : memref<640x128xf32, #tpu.memory_space<vmem_shared>>) target(%dma_start3A_78 : memref<640x128xf32, #tpu.memory_space<hbm>>) target_semaphore(%run_scoped3A_75 : memref<!tpu.dma_semaphore, #tpu.memory_space<semaphore_mem>>)
      %dma_wait3A_81 = arith.constant 0 : i32
      %dma_wait3A_82 = tpu.memref_slice %arg5[%arg0, %mul3A_74, %dma_wait3A_81] : memref<2x10240x128xf32, #tpu.memory_space<hbm>> -> memref<1x640x128xf32, #tpu.memory_space<hbm>>
      %dma_wait3A_83 = tpu.memref_squeeze %dma_wait3A_82 : memref<1x640x128xf32, #tpu.memory_space<hbm>> -> memref<640x128xf32, #tpu.memory_space<hbm>>
      %dma_wait3A_84 = arith.constant 0 : i32
      %dma_wait3A_85 = tpu.memref_slice %arg10[%mul3A_72, %dma_wait3A_84] : memref<10240x128xf32, #tpu.memory_space<vmem_shared>> -> memref<640x128xf32, #tpu.memory_space<vmem_shared>>
      tpu.wait_dma2 semaphore(%run_scoped3A_75 : memref<!tpu.dma_semaphore, #tpu.memory_space<semaphore_mem>>) src(%dma_wait3A_85 : memref<640x128xf32, #tpu.memory_space<vmem_shared>>) dst(%dma_wait3A_83 : memref<640x128xf32, #tpu.memory_space<hbm>>)
      tpu.yield
    }) : () -> ()
    return
  }
}

module attributes {stable_mosaic.version = 14 : i64} {
  func.func @_mm_body(%arg0: i32, %arg1: memref<1000x128xf32, #tpu.memory_space<vmem>>, %arg2: memref<128x128xf32, #tpu.memory_space<vmem>>, %arg3: memref<2x1000x1xf32, #tpu.memory_space<vmem>>, %arg4: memref<1000x128xf32, #tpu.memory_space<vmem>>) attributes {dimension_semantics = [#tpu.dimension_semantics<arbitrary>], iteration_bounds = array<i64: 10>, scalar_prefetch = 0 : i64, scratch_operands = 0 : i64, tpu.core_type = #tpu.core_type<tc>, window_params = [{transform_indices = @transform_0, window_bounds = array<i64: 1000, 128>}, {pipeline_mode = #tpu.pipeline_mode<synchronous>, transform_indices = @transform_1, window_bounds = array<i64: 128, 128>}, {transform_indices = @transform_2, window_bounds = array<i64: 2, 1000, 1>}, {transform_indices = @transform_3, window_bounds = array<i64: 1000, 128>}]} {
    %get3A = arith.constant 0 : index
    %get3A_0 = arith.constant 0 : index
    %get3A_1 = arith.constant 0 : index
    %get3A_2 = vector.load %arg3[%get3A, %get3A_0, %get3A_1] : memref<2x1000x1xf32, #tpu.memory_space<vmem>>, vector<1x1000x1xf32>
    %get3A_3 = vector.shape_cast %get3A_2 : vector<1x1000x1xf32> to vector<1000x1xf32>
    %get3A_4 = arith.constant 1 : index
    %get3A_5 = arith.constant 0 : index
    %get3A_6 = arith.constant 0 : index
    %get3A_7 = vector.load %arg3[%get3A_4, %get3A_5, %get3A_6] : memref<2x1000x1xf32, #tpu.memory_space<vmem>>, vector<1x1000x1xf32>
    %get3A_8 = vector.shape_cast %get3A_7 : vector<1x1000x1xf32> to vector<1000x1xf32>
    %add3A = arith.addf %get3A_3, %get3A_8 : vector<1000x1xf32>
    %max3A = arith.constant 9.99999996E-13 : f32
    %max3A_9 = vector.broadcast %max3A : f32 to vector<1000x1xf32>
    %max3A_10 = arith.maximumf %add3A, %max3A_9 : vector<1000x1xf32>
    %rsqrt3A = math.rsqrt %max3A_10 : vector<1000x1xf32>
    %get3A_11 = arith.constant 0 : index
    %get3A_12 = arith.constant 0 : index
    %get3A_13 = vector.load %arg1[%get3A_11, %get3A_12] : memref<1000x128xf32, #tpu.memory_space<vmem>>, vector<1000x128xf32>
    %get3A_14 = arith.constant 0 : index
    %get3A_15 = arith.constant 0 : index
    %get3A_16 = vector.load %arg2[%get3A_14, %get3A_15] : memref<128x128xf32, #tpu.memory_space<vmem>>, vector<128x128xf32>
    %dot_general3A = arith.constant dense<0.000000e+00> : vector<1000x128xf32>
    %dot_general3A_17 = tpu.matmul %get3A_13, %get3A_16, %dot_general3A {dimension_numbers = #tpu.dot_dimension_numbers<[1], [1], [0], [0], [0, 0, 1, 0], [], []>, transpose_lhs_hint = false} : vector<1000x128xf32>, vector<128x128xf32>, vector<1000x128xf32> -> vector<1000x128xf32>
    %mul3A = vector.broadcast %rsqrt3A : vector<1000x1xf32> to vector<1000x128xf32>
    %mul3A_18 = arith.mulf %dot_general3A_17, %mul3A : vector<1000x128xf32>
    %swap3A = arith.constant 0 : index
    %swap3A_19 = arith.constant 0 : index
    %swap3A_20 = vector.load %arg4[%swap3A, %swap3A_19] : memref<1000x128xf32, #tpu.memory_space<vmem>>, vector<1000x128xf32>
    tpu.vector_store %arg4[%swap3A, %swap3A_19], %mul3A_18 {strides = array<i32>} : memref<1000x128xf32, #tpu.memory_space<vmem>>, vector<1000x128xf32>,
    return
  }
  func.func @transform_0(%arg0: i32) -> (i32, i32) {
    %c0_i32 = arith.constant 0 : i32
    %c0_i32_0 = arith.constant 0 : i32
    return %arg0, %c0_i32 : i32, i32
  }
  func.func @transform_1(%arg0: i32) -> (i32, i32) {
    %c0_i32 = arith.constant 0 : i32
    %c0_i32_0 = arith.constant 0 : i32
    %c0_i32_1 = arith.constant 0 : i32
    return %c0_i32, %c0_i32_0 : i32, i32
  }
  func.func @transform_2(%arg0: i32) -> (i32, i32, i32) {
    %c0_i32 = arith.constant 0 : i32
    %c0_i32_0 = arith.constant 0 : i32
    %c0_i32_1 = arith.constant 0 : i32
    return %c0_i32, %arg0, %c0_i32_0 : i32, i32, i32
  }
  func.func @transform_3(%arg0: i32) -> (i32, i32) {
    %c0_i32 = arith.constant 0 : i32
    %c0_i32_0 = arith.constant 0 : i32
    return %arg0, %c0_i32 : i32, i32
  }
}

module attributes {stable_mosaic.version = 14 : i64} {
  func.func @_fin_body(%arg0: i32, %arg1: memref<2x1000x128xf32, #tpu.memory_space<vmem>>, %arg2: memref<2x1000x1xf32, #tpu.memory_space<vmem>>, %arg3: memref<128xf32, #tpu.memory_space<vmem>>, %arg4: memref<1000x128xf32, #tpu.memory_space<vmem>>) attributes {dimension_semantics = [#tpu.dimension_semantics<arbitrary>], iteration_bounds = array<i64: 10>, scalar_prefetch = 0 : i64, scratch_operands = 0 : i64, tpu.core_type = #tpu.core_type<tc>, window_params = [{transform_indices = @transform_0, window_bounds = array<i64: 2, 1000, 128>}, {transform_indices = @transform_1, window_bounds = array<i64: 2, 1000, 1>}, {pipeline_mode = #tpu.pipeline_mode<synchronous>, transform_indices = @transform_2, window_bounds = array<i64: 128>}, {transform_indices = @transform_3, window_bounds = array<i64: 1000, 128>}]} {
    %get3A = arith.constant 0 : index
    %get3A_0 = arith.constant 0 : index
    %get3A_1 = arith.constant 0 : index
    %get3A_2 = vector.load %arg2[%get3A, %get3A_0, %get3A_1] : memref<2x1000x1xf32, #tpu.memory_space<vmem>>, vector<1x1000x1xf32>
    %get3A_3 = vector.shape_cast %get3A_2 : vector<1x1000x1xf32> to vector<1000x1xf32>
    %get3A_4 = arith.constant 1 : index
    %get3A_5 = arith.constant 0 : index
    %get3A_6 = arith.constant 0 : index
    %get3A_7 = vector.load %arg2[%get3A_4, %get3A_5, %get3A_6] : memref<2x1000x1xf32, #tpu.memory_space<vmem>>, vector<1x1000x1xf32>
    %get3A_8 = vector.shape_cast %get3A_7 : vector<1x1000x1xf32> to vector<1000x1xf32>
    %add3A = arith.addf %get3A_3, %get3A_8 : vector<1000x1xf32>
    %max3A = arith.constant 9.99999996E-13 : f32
    %max3A_9 = vector.broadcast %max3A : f32 to vector<1000x1xf32>
    %max3A_10 = arith.maximumf %add3A, %max3A_9 : vector<1000x1xf32>
    %rsqrt3A = math.rsqrt %max3A_10 : vector<1000x1xf32>
    %get3A_11 = arith.constant 0 : index
    %get3A_12 = arith.constant 0 : index
    %get3A_13 = arith.constant 0 : index
    %get3A_14 = vector.load %arg1[%get3A_11, %get3A_12, %get3A_13] : memref<2x1000x128xf32, #tpu.memory_space<vmem>>, vector<1x1000x128xf32>
    %get3A_15 = vector.shape_cast %get3A_14 : vector<1x1000x128xf32> to vector<1000x128xf32>
    %get3A_16 = arith.constant 1 : index
    %get3A_17 = arith.constant 0 : index
    %get3A_18 = arith.constant 0 : index
    %get3A_19 = vector.load %arg1[%get3A_16, %get3A_17, %get3A_18] : memref<2x1000x128xf32, #tpu.memory_space<vmem>>, vector<1x1000x128xf32>
    %get3A_20 = vector.shape_cast %get3A_19 : vector<1x1000x128xf32> to vector<1000x128xf32>
    %add3A_21 = arith.addf %get3A_15, %get3A_20 : vector<1000x128xf32>
    %mul3A = vector.broadcast %rsqrt3A : vector<1000x1xf32> to vector<1000x128xf32>
    %mul3A_22 = arith.mulf %mul3A, %add3A_21 : vector<1000x128xf32>
    %get3A_23 = arith.constant 0 : index
    %get3A_24 = vector.load %arg3[%get3A_23] : memref<128xf32, #tpu.memory_space<vmem>>, vector<128xf32>
    %broadcast_in_dim3A = vector.shape_cast %get3A_24 : vector<128xf32> to vector<1x128xf32>
    %add3A_25 = vector.broadcast %broadcast_in_dim3A : vector<1x128xf32> to vector<1000x128xf32>
    %add3A_26 = arith.addf %mul3A_22, %add3A_25 : vector<1000x128xf32>
    %swap3A = arith.constant 0 : index
    %swap3A_27 = arith.constant 0 : index
    %swap3A_28 = vector.load %arg4[%swap3A, %swap3A_27] : memref<1000x128xf32, #tpu.memory_space<vmem>>, vector<1000x128xf32>
    tpu.vector_store %arg4[%swap3A, %swap3A_27], %add3A_26 {strides = array<i32>} : memref<1000x128xf32, #tpu.memory_space<vmem>>, vector<1000x128xf32>,
    return
  }
  func.func @transform_0(%arg0: i32) -> (i32, i32, i32) {
    %c0_i32 = arith.constant 0 : i32
    %c0_i32_0 = arith.constant 0 : i32
    %c0_i32_1 = arith.constant 0 : i32
    return %c0_i32, %arg0, %c0_i32_0 : i32, i32, i32
  }
  func.func @transform_1(%arg0: i32) -> (i32, i32, i32) {
    %c0_i32 = arith.constant 0 : i32
    %c0_i32_0 = arith.constant 0 : i32
    %c0_i32_1 = arith.constant 0 : i32
    return %c0_i32, %arg0, %c0_i32_0 : i32, i32, i32
  }
  func.func @transform_2(%arg0: i32) -> i32 {
    %c0_i32 = arith.constant 0 : i32
    %c0_i32_0 = arith.constant 0 : i32
    return %c0_i32 : i32
  }
  func.func @transform_3(%arg0: i32) -> (i32, i32) {
    %c0_i32 = arith.constant 0 : i32
    %c0_i32_0 = arith.constant 0 : i32
    return %arg0, %c0_i32 : i32, i32
  }
}

</mosaic_0001>

<sc_bundles>
// kernel: kernel.6.cloned.1.call-start
scs
__scs_entry_jumppad:
0x0: {  	(pc) =	sbr.rel $0x88, $3  }
0x1: {  	(tag) =	ssettag $0x0;
	lr =	simm.s32 $0x1  }
0x2: {  	[smem:$0x3F9D] =	sst lr;
	_ =	strace $0xD0000000  }
0x3: {  	_ = 	snop  }
0x4: {  	_ = 	snop  }
0x5: {  	_ = 	snop  }
0x6: {  	_ = 	snop  }
0x7: {  	_ = 	snop  }
__scs_overlays_trampoline_lowered:
0x8: {  	[smem:$0x3FAC] =	sst s0  }
0x9: {  	[smem:$0x3FAD] =	sst s1  }
0xa: {  	[smem:$0x3FAE] =	sst s2  }
0xb: {  	[smem:$0x3FAF] =	sst s3  }
0xc: {  	[smem:$0x3FB0] =	sst s4  }
0xd: {  	[smem:$0x3FB1] =	sst s5  }
0xe: {  	[smem:$0x3FB2] =	sst s6  }
0xf: {  	[smem:$0x3FB3] =	sst s7  }
0x10: {  	[smem:$0x3FB4] =	sst s8  }
0x11: {  	[smem:$0x3FB5] =	sst s9;
	s0 =	simm.s32 @!p0 $0x0  }
0x12: {  	s1 =	sld [smem:$0x3F9B];
	s0 =	simm.s32 @p0 $0x1  }
0x13: {  	[smem:$0x3FB6] =	sst s0;
	s0 =	simm.s32 @!p1 $0x0  }
0x14: {  	s2 =	sld [smem:$0x3F9A];
	s0 =	simm.s32 @p1 $0x1  }
0x15: {  	[smem:$0x3FB7] =	sst s0;
	s0 =	simm.s32 @!p2 $0x0  }
0x16: {  	s3 =	sld [smem:$0x3FDB];
	s0 =	simm.s32 @p2 $0x1  }
0x17: {  	s4 =	simm.s32 $0x1BF5;
	[smem:$0x3FB9] =	sst s0  }
0x18: {  	s0 =	sld [smem:$0x3F9C];
	_ =	swait.ge [sflag:s4], $0x0  }
0x19: {  	s7 =	sld [smem:$0x3F9D]  }
0x1a: {  	s8 =	sadd.s32 $0xFFFFE003, lr  }
0x1b: {  	s9 =	sadd.s32 $0xFFFFFEF7, lr;
	s5 =	simm.s32 $0xFFFFFFFF;
	p2 =	slt.u32 s8, $0xFFFFF086  }
0x1c: {  	p1 =	slt.u32 s9, $0xF7A;
	s5 =	simm.s32 @!p2 $0x0  }
0x1d: {  	s5 =	simm.s32 @p1 $0x1;
	p0 =	seq.s32 s7, s2  }
0x1e: {  	s7 =	smul.u32 @!p0 $0xF7A, s2;
	p2 =	seq.s32 @!p0 s5, $0x0  }
0x1f: {  	s9 =	smul.u32 $0xF7A, s1;
	s8 =	simm.s32 @!p0 $0x1BF5;
	p2 =	por !p2, p0  }
0x20: {  	[sflag:s8] =	ssyncset.s32 @!p0 $0xFFFFF086;
	s6 =	sadd.s32 @!p0 s3, s7;
	s7 =	simm.s32 @!p0 $0x108  }
0x21: {  	s3 =	sadd.s32 s3, s9;
	s6 =	sadd.s32 @!p0 $0x88, s6;
	s7 =	simm.s32 @p2 $0x1082  }
0x22: {  	[simem:s7], [sflag:s8] =	dma.local @!p0 [hbm:s6], $0xF7A  }
0x23: {  	s9 =	sor.u32 $0xD0000000, s2;
	s6 =	simm.s32 $0x108;
	_ =	swait.ge @!p0 [sflag:s8], $0x0  }
0x24: {  	s3 =	sadd.s32 $0x88, s3;
	s6 =	simm.s32 @!p1 $0x1082;
	[sflag:s4] =	ssyncset.s32 $0xFFFFF086  }
0x25: {  	[simem:s6], [sflag:s4] =	dma.local [hbm:s3], $0xF7A  }
0x26: {  	[smem:$0x3F9D] =	sst s1;
	(tag) =	ssettag s2;
	_ =	strace s9  }
0x27: {  	s1 =	sld [smem:$0x3FAD]  }
0x28: {  	s2 =	sld [smem:$0x3FAE]  }
0x29: {  	s4 =	sld [smem:$0x3FB0]  }
0x2a: {  	p0 =	seq.s32 s5, $0x0;
	s5 =	sld [smem:$0x3FB1]  }
0x2b: {  	s6 =	sld [smem:$0x3FB2]  }
0x2c: {  	s7 =	sld [smem:$0x3FB3]  }
0x2d: {  	s3 =	simm.s32 $0x108;
	s8 =	sld [smem:$0x3FB4]  }
0x2e: {  	s3 =	simm.s32 @!p0 $0x1082;
	s9 =	sld [smem:$0x3FB5]  }
0x2f: {  	lr =	sadd.s32 s0, s3;
	s0 =	sld [smem:$0x3FAC]  }
0x30: {  	s3 =	sld [smem:$0x3FAF]  }
0x31: {  	[smem:$0x3FB8] =	sst s10  }
0x32: {  	s10 =	sld [smem:$0x3FB6];
	_ =	sdelay $0x3  }
0x33: {  	p0 =	seq.s32 s10, $0x1;
	s10 =	sld [smem:$0x3FB8];
	_ =	sdelay $0x3  }
0x34: {  	[smem:$0x3FB8] =	sst s10  }
0x35: {  	s10 =	sld [smem:$0x3FB7];
	_ =	sdelay $0x3  }
0x36: {  	p1 =	seq.s32 s10, $0x1;
	s10 =	sld [smem:$0x3FB8];
	_ =	sdelay $0x3  }
0x37: {  	[smem:$0x3FB8] =	sst s10  }
0x38: {  	s10 =	sld [smem:$0x3FB9]  }
0x39: {  	_ = 	snop;
	(pc) =	sbr.ind lr, $3  }
0x3a: {  	_ = 	snop  }
0x3b: {  	_ = 	snop  }
0x3c: {  	p2 =	seq.s32 s10, $0x1;
	s10 =	sld [smem:$0x3FB8]  }
0x3d: {  	_ =	shalt  }
0x3e: {  	_ =	shalt  }
0x3f: {  	_ =	shalt  }
0x40: {  	_ =	shalt  }
0x41: {  	_ =	shalt  }
0x42: {  	_ =	shalt  }
0x43: {  	_ =	shalt  }
0x44: {  	_ =	shalt  }
0x45: {  	_ =	shalt  }
0x46: {  	_ =	shalt  }
0x47: {  	_ =	shalt  }
0x48: {  	_ =	shalt  }
0x49: {  	_ =	shalt  }
0x4a: {  	_ =	shalt  }
0x4b: {  	_ =	shalt  }
0x4c: {  	_ =	shalt  }
0x4d: {  	_ =	shalt  }
0x4e: {  	_ =	shalt  }
0x4f: {  	_ =	shalt  }
0x50: {  	_ =	shalt  }
0x51: {  	_ =	shalt  }
0x52: {  	_ =	shalt  }
0x53: {  	_ =	shalt  }
0x54: {  	_ =	shalt  }
0x55: {  	_ =	shalt  }
0x56: {  	_ =	shalt  }
0x57: {  	_ =	shalt  }
0x58: {  	_ =	shalt  }
0x59: {  	_ =	shalt  }
0x5a: {  	_ =	shalt  }
0x5b: {  	_ =	shalt  }
0x5c: {  	_ =	shalt  }
0x5d: {  	_ =	shalt  }
0x5e: {  	_ =	shalt  }
0x5f: {  	_ =	shalt  }
0x60: {  	_ =	shalt  }
0x61: {  	_ =	shalt  }
0x62: {  	_ =	shalt  }
0x63: {  	_ =	shalt  }
0x64: {  	_ =	shalt  }
0x65: {  	_ =	shalt  }
0x66: {  	_ =	shalt  }
0x67: {  	_ =	shalt  }
0x68: {  	_ =	shalt  }
0x69: {  	_ =	shalt  }
0x6a: {  	_ =	shalt  }
0x6b: {  	_ =	shalt  }
0x6c: {  	_ =	shalt  }
0x6d: {  	_ =	shalt  }
0x6e: {  	_ =	shalt  }
0x6f: {  	_ =	shalt  }
0x70: {  	_ =	shalt  }
0x71: {  	_ =	shalt  }
0x72: {  	_ =	shalt  }
0x73: {  	_ =	shalt  }
0x74: {  	_ =	shalt  }
0x75: {  	_ =	shalt  }
0x76: {  	_ =	shalt  }
0x77: {  	_ =	shalt  }
0x78: {  	_ =	shalt  }
0x79: {  	_ =	shalt  }
0x7a: {  	_ =	shalt  }
0x7b: {  	_ =	shalt  }
0x7c: {  	_ =	shalt  }
0x7d: {  	_ =	shalt  }
0x7e: {  	_ =	shalt  }
0x7f: {  	_ =	shalt  }
0x80: {  	_ =	shalt  }
0x81: {  	_ =	shalt  }
0x82: {  	_ =	shalt  }
0x83: {  	_ =	shalt  }
0x84: {  	_ =	shalt  }
0x85: {  	_ =	shalt  }
0x86: {  	_ =	shalt  }
0x87: {  	_ =	shalt  }
.Lfunc_end0:
.L_simem_size_0:
called_computation_lowered:
.L_overlay_start_0:
0x88: {  	s2 =	sld [smem:$0x3FD9]  }
0x89: {  	s3 =	sld [smem:$0x3FFE];
	_ =	sdelay $0x1  }
0x8a: {  	s1 =	srdreg.scid  }
0x8b: {  	s0 =	sand.u32 $0x1, s1  }
0x8c: {  	s17 =	sshll.u32 s0, $0xA;
	s2 =	sadd.s32 s3, s2  }
0x8d: {  	s2 =	sadd.s32 s2, s17  }
0x8e: {  	[smem:$0x3FC4] =	sst s2  }
0x8f: {  	_ = 	snop  }
0x90: {  	s2 =	sld [smem:$0x3FD0];
	(tm) =	ssettm $0x1  }
0x91: {  	s18 =	sld [smem:$0x3FFB];
	_ =	sdelay $0x3  }
0x92: {  	_ =	strace s18  }
0x93: {  	s3 =	sld [smem:$0x3FFC];
	_ =	sdelay $0x3  }
0x94: {  	_ =	strace s3  }
0x95: {  	s3 =	sld [smem:$0x3FFD];
	_ =	sdelay $0x3  }
0x96: {  	_ =	strace s3  }
0x97: {  	_ =	strace $0x8FFFFFFF  }
0x98: {  	s19 =	sld [smem:$0x3FDB];
	_ =	sdelay $0x1  }
0x99: {  	s4 =	simm.s32 $_scs_section_size  }
0x9a: {  	s5 =	simm.s32 $_size__tile_overlayer_lowered;
	s6 =	simm.s32 $_tile_overlayer_lowered  }
0x9b: {  	s22 =	simm.s32 $0x1BFF;
	s21 =	sshll.u32 s6, $0x1;
	s3 =	sadd.s32 s4, s19  }
0x9c: {  	s7 =	simm.s32 $0x0;
	s20 =	sshll.u32 s5, $0x1;
	s5 =	sadd.s32 s21, s3  }
0x9d: {  	[timem:s7], [sflag:s22] =	dma.local [hbm:s5], s20  }
0x9e: {  	_ =	swait.ge [sflag:s22], s20  }
0x9f: {  	s4 =	ssub.s32 $0x0, s20;
	[sflag:s22] =	ssyncset.done $0x0  }
0xa0: {  	[sflag:s22] =	ssyncadd.s32 s4;
	_ =	sdelay $0x1  }
0xa1: {  	s23 =	simm.s32 $0x1B8B  }
0xa2: {  	_ =	swait.ge [sflag:s23], $0x1  }
0xa3: {  	[sflag:s23] =	ssyncset.done $0x0  }
0xa4: {  	s25 =	simm.s32 $0x1B8E;
	s24 =	sld [smem:$0x3FFE];
	[sflag:s23] =	ssyncadd.s32 $0xFFFFFFFF  }
0xa5: {  	s26 =	simm.s32 $execute0_lowered;
	[smem:$0x3FD2] =	sst s25  }
0xa6: {  	s5 =	sshll.u32 s26, $0x1;
	_ =	strace $0x80000046;
	[dreg:$0x1] =	wrdreg $0xFFFFFFFF  }
0xa7: {  	s28 =	simm.s32 $_size_execute0_lowered;
	s3 =	sadd.s32 s3, s5;
	[dreg:$0x0] =	wrdreg $0x0  }
0xa8: {  	s5 =	sshll.u32 s28, $0x1;
	[dreg:$0x2] =	wrdreg s3  }
0xa9: {  	[dreg:$0x3] =	wrdreg s5  }
0xaa: {  	[dreg:$0x4] =	wrdreg $0xC0  }
0xab: {  	_ =	task [dreg:s7], $0x5FFFF  }
0xac: {  	[dreg:$0x1] =	wrdreg $0xFFFFFFFF  }
0xad: {  	[dreg:$0x0] =	wrdreg $0x60  }
0xae: {  	[dreg:$0x2] =	wrdreg s2  }
0xaf: {  	[dreg:$0x3] =	wrdreg s24  }
0xb0: {  	[dreg:$0x4] =	wrdreg $0x7B800  }
0xb1: {  	[dreg:$0x5] =	wrdreg $0x9  }
0xb2: {  	_ =	task.clear_ibuf [dreg:s7], $0x6FFFF;
	_ =	strace $0x90000046  }
0xb3: {  	s29 =	simm.s32 $0x9;
	_ =	strace $0x80000048  }
0xb4: {  	_ =	swait.ge [sflag:s29], $0x1  }
0xb5: {  	[sflag:s29] =	ssyncadd.s32 $0xFFFFFFFF  }
0xb6: {  	_ =	strace $0x90000048  }
0xb7: {  	_ =	sfence  }
0xb8: {  	s30 =	sld [smem:$0x0];
	_ =	sdelay $0x2  }
0xb9: {  	s31 =	sshll.u32 s1, $0xD;
	s1 =	sshrl.u32 s1, $0x2  }
0xba: {  	s3 =	sand.u32 $0x4000, s31;
	s1 =	sadd.s32 s1, s30  }
0xbb: {  	s0 =	sor.u32 s3, s0;
	s1 =	sshll.u32 s1, $0x11  }
0xbc: {  	s0 =	sor.u32 s1, s0  }
0xbd: {  	s0 =	sadd.s32 $0x8F2B, s0  }
0xbe: {  	[sflag:s0] =	ssyncadd.remote.s32 $0x1  }
0xbf: {  	_ =	sfence.sel $0xFFFF  }
0xc0: {  	[dreg:$0x0] =	wrdreg $0xFFFFFFFF;
	(pc) =	sbr.abs _section_cstart, $3  }
0xc1: {  	[dreg:$0x1] =	wrdreg $0xFFFFFFFF  }
0xc2: {  	_ =	task.clear_ibuf [dreg:s7], $0x2FFFF;
	_ =	strace $0x9FFFFFFF  }
0xc3: {  	(tm) =	ssettm $0x7FFFFFFF  }
tec
execute0_lowered:
.L_overlay_start_1:
0x0: {  	(tag) =	ssettag $0x1  }
0x1: {  	s3 =	rddreg [dreg:$0x0]  }
0x2: {  	s4 =	rddreg [dreg:$0x1]  }
0x3: {  	s5 =	rddreg [dreg:$0x2]  }
0x4: {  	s0 =	rddreg [dreg:$0x3]  }
0x5: {  	s6 =	srdreg.scid;
	s1 =	stileid.u32;
	s2 =	simm.s32 $0x0  }
0x6: {  	s13 =	simm.s32 $0x14000;
	s14 =	simm.s32 $0x5100;
	s15 =	simm.s32 $0x100  }
0x7: {  	s16 =	simm.s32 $0x7900;
	s6 =	sand.u32 $0x1, s6;
	s7 =	smul.u32 $0x500, s1  }
0x8: {  	[smem:$0x7FF] =	sst s2;
	s9 =	sshrl.u32 s1, $0x3;
	s10 =	sshll.u32 s1, $0x7  }
0x9: {  	s11 =	smul.u32 $0x5000, s1;
	s8 =	sshll.u32 s6, $0x7;
	_ =	strace $0x80000047  }
0xa: {  	s26 =	sshll.u32 s6, $0x4;
	s6 =	ssub.s32 $0x2, s6;
	s9 =	smul.u32 $0x50000, s9  }
0xb: {  	s29 =	sand.u32 $0x380, s10;
	s10 =	simm.s32 $0x80;
	s7 =	sor.u32 s8, s7  }
0xc: {  	s8 =	sor.u32 s1, s26;
	s28 =	sshrl.u32 s6, $0x1;
	s31 =	sshrl.u32 s11, $0x2  }
0xd: {  	s11 =	simm.s32 $0x400;
	s7 =	sshrl.u32 s7, $0x3;
	s8 =	smul.u32 $0x520, s8  }
0xe: {  	s9 =	sshrl.u32 s9, $0x2;
	s12 =	ssub.s32 s6, s28;
	s7 =	sadd.s32 s7, s4  }
0xf: {  	s30 =	sadd.s32 s9, s5;
	s5 =	sadd.s32 s31, s5;
	s9 =	simm.s32 $0x2900  }
0x10: {  	s3 =	sadd.s32 s3, s8;
	s4 =	sadd.s32 s29, s30;
	s6 =	sadd.s32 $0x1200, s7  }
0x11: {  	v0 =	vimm.f32 $0.0e+00;
	v1 =	vimm.f32 $1.000000000e+00;
	s7 =	smax.u32 s12, $0x1;
	s8 =	simm.s32 $0x1;
	s12 =	simm.s32 $0x1400  }
.LBB2_1:
0x12: {  	s17 =	simm.s32 $0x40;
	s18 =	simm.s32 $0x0  }
.LBB2_2:
0x13: {  	p0 =	sne.s32 s17, $0x9FC0;
	[tilespmem:s18+$0x2900] =	vst v0;
	s18 =	smov.u32 s17;
	s17 =	sadd.s32 $0x40, s17  }
.Ltmp0:
0x14: {  	(pc) =	sbr.rel @p0 .LBB2_2-.Ltmp0, $2  }
0x15: {  	_ =	sdelay $0x2  }
0x16: {  	s18 =	sshra.s32 s18, $0x2  }
0x17: {  	[tilespmem:s18+$0x2900] =	vst v0;
	s17 =	simm.s32 $0x0  }
0x18: {  	[tilespmem:s17], [sflag:$0x1] =	stream.linear.gather [hbm4b:s3+s17], $0x2900, $0x38;
	[tilespmem:$0xA380] =	vst v63  }
0x19: {  	_ =	swait.ge [sflag:s8], $0x2900  }
0x1a: {  	[sflag:s8] =	ssyncset.done $0x0  }
0x1b: {  	s18 =	simm.s32 $0x0;
	s17 =	simm.s32 $0x40;
	[sflag:s8] =	ssyncadd.s32 $0xFFFFD700  }
.LBB2_4:
0x1c: {  	p0 =	sne.s32 s17, $0xA3C0;
	v2 =	vld [tilespmem:s18+$0x0];
	_ =	sdelay $0x3  }
.Ltmp1:
0x1d: {  	(pc) =	sbr.rel @p0 .LBB2_4-.Ltmp1, $2  }
0x1e: {  	_ =	sdelay $0x2  }
0x1f: {  	s18 =	sshra.s32 s17, $0x2;
	s17 =	sadd.s32 $0x40, s17;
	[tilespmem:v2+s9+$0x0] =	vst.idx.add.f32.msk $0xffff, v1  }
0x20: {  	v2 =	vld [tilespmem:s18+$0x0];
	_ =	sdelay $0x7  }
0x21: {  	[tilespmem:v2+s9+$0x0] =	vst.idx.add.f32.msk $0xffff, v1  }
0x22: {  	[spmem:s4] =	stream.strided.scatter [tilespmem:s9], [sflag:$0x1], $0x2800, s11, s10, $0x38;
	[tilespmem:$0xA380] =	vst v63  }
0x23: {  	_ =	swait.ge [sflag:s8], $0x2800  }
0x24: {  	[sflag:s8] =	ssyncset.done $0x0  }
0x25: {  	[sflag:s8] =	ssyncadd.s32 $0xFFFFD800  }
0x26: {  	[bflag:$0x0] =	sbarrier.arrive $0xFFFF  }
0x27: {  	[tilespmem:s14], [sflag:$0x1] =	stream.strided.gather [spmem:s5], $0x2800, s13, s12, $0x38;
	[tilespmem:$0xA380] =	vst v63  }
0x28: {  	s17 =	simm.s32 $0x0;
	_ =	swait.ge [sflag:s8], $0x2800  }
0x29: {  	s30 =	sand.u32 $0x70, s17;
	s17 =	sand.u32 $0x1C00, s17;
	[sflag:s8] =	ssyncset.done $0x0  }
0x2a: {  	s17 =	sor.u32 s30, s17;
	[sflag:s8] =	ssyncadd.s32 $0xFFFFD800  }
0x2b: {  	v2 =	vld [tilespmem:s17+$0x5180]  }
0x2c: {  	v3 =	vld [tilespmem:s17+$0x5100];
	_ =	sdelay $0x1  }
0x2d: {  	v4 =	vld [tilespmem:s17+$0x5200];
	_ =	sdelay $0x1  }
0x2e: {  	v5 =	vld [tilespmem:s17+$0x5280]  }
0x2f: {  	v2 =	vadd.f32 v2, v3  }
0x30: {  	v3 =	vld [tilespmem:s17+$0x5300]  }
0x31: {  	v2 =	vadd.f32 v4, v2  }
0x32: {  	v56 =	vld [tilespmem:s17+$0x5380]  }
0x33: {  	v2 =	vadd.f32 v5, v2  }
0x34: {  	v57 =	vld [tilespmem:s17+$0x5400]  }
0x35: {  	v2 =	vadd.f32 v3, v2  }
0x36: {  	v3 =	vld [tilespmem:s17+$0x5480]  }
0x37: {  	v2 =	vadd.f32 v56, v2  }
0x38: {  	v58 =	vld [tilespmem:s17+$0x6500]  }
0x39: {  	v2 =	vadd.f32 v57, v2  }
0x3a: {  	v59 =	vld [tilespmem:s17+$0x6580]  }
0x3b: {  	v2 =	vadd.f32 v3, v2  }
0x3c: {  	v3 =	vld [tilespmem:s17+$0x6600]  }
0x3d: {  	v2 =	vadd.f32 v58, v2  }
0x3e: {  	v60 =	vld [tilespmem:s17+$0x6680]  }
0x3f: {  	v2 =	vadd.f32 v59, v2  }
0x40: {  	v61 =	vld [tilespmem:s17+$0x6700]  }
0x41: {  	v2 =	vadd.f32 v3, v2  }
0x42: {  	v3 =	vld [tilespmem:s17+$0x6780]  }
0x43: {  	v2 =	vadd.f32 v60, v2  }
0x44: {  	v62 =	vld [tilespmem:s17+$0x6800]  }
0x45: {  	v2 =	vadd.f32 v61, v2  }
0x46: {  	v63 =	vld [tilespmem:s17+$0x6880]  }
0x47: {  	v2 =	vadd.f32 v3, v2;
	_ =	sdelay $0x1  }
0x48: {  	v2 =	vadd.f32 v62, v2;
	_ =	sdelay $0x1  }
0x49: {  	s31 =	simm.s32 $0x10;
	s19 =	simm.s32 $0x80;
	v2 =	vadd.f32 v63, v2  }
0x4a: {  	s18 =	sand.u32 $0x70, s31;
	s20 =	sand.u32 $0x1C00, s19;
	s17 =	simm.s32 $0x7900  }
0x4b: {  	s18 =	sor.u32 s18, s20;
	s20 =	simm.s32 $0x20;
	[tilespmem:s17+$0x0] =	vst v2  }
.LBB2_6:
0x4c: {  	p0 =	sne.s32 s20, $0x270;
	v2 =	vld [tilespmem:s18+$0x5180]  }
0x4d: {  	v3 =	vld [tilespmem:s18+$0x5100];
	_ =	sdelay $0x1  }
0x4e: {  	v4 =	vld [tilespmem:s18+$0x5200];
	_ =	sdelay $0x1  }
0x4f: {  	v5 =	vld [tilespmem:s18+$0x5280]  }
0x50: {  	v2 =	vadd.f32 v2, v3  }
0x51: {  	v3 =	vld [tilespmem:s18+$0x5300]  }
0x52: {  	v2 =	vadd.f32 v4, v2  }
0x53: {  	v4 =	vld [tilespmem:s18+$0x5380]  }
0x54: {  	v2 =	vadd.f32 v5, v2  }
0x55: {  	v5 =	vld [tilespmem:s18+$0x5400]  }
0x56: {  	v2 =	vadd.f32 v3, v2  }
0x57: {  	v3 =	vld [tilespmem:s18+$0x5480]  }
0x58: {  	v2 =	vadd.f32 v4, v2  }
0x59: {  	v4 =	vld [tilespmem:s18+$0x6500]  }
0x5a: {  	v2 =	vadd.f32 v5, v2  }
0x5b: {  	v5 =	vld [tilespmem:s18+$0x6580]  }
0x5c: {  	v2 =	vadd.f32 v3, v2  }
0x5d: {  	v3 =	vld [tilespmem:s18+$0x6600]  }
0x5e: {  	v2 =	vadd.f32 v4, v2  }
0x5f: {  	v4 =	vld [tilespmem:s18+$0x6680]  }
0x60: {  	v2 =	vadd.f32 v5, v2  }
0x61: {  	v5 =	vld [tilespmem:s18+$0x6700]  }
0x62: {  	v2 =	vadd.f32 v3, v2  }
0x63: {  	v3 =	vld [tilespmem:s18+$0x6780]  }
0x64: {  	v2 =	vadd.f32 v4, v2  }
0x65: {  	v4 =	vld [tilespmem:s18+$0x6800]  }
0x66: {  	v2 =	vadd.f32 v5, v2  }
0x67: {  	v5 =	vld [tilespmem:s18+$0x6880]  }
0x68: {  	v2 =	vadd.f32 v3, v2;
	_ =	sdelay $0x1  }
.Ltmp2:
0x69: {  	v2 =	vadd.f32 v4, v2;
	(pc) =	sbr.rel @p0 .LBB2_6-.Ltmp2, $4  }
0x6a: {  	_ = 	snop  }
0x6b: {  	s19 =	sadd.s32 $0x80, s19;
	v2 =	vadd.f32 v5, v2  }
0x6c: {  	s17 =	sadd.s32 $0x10, s17;
	s21 =	sand.u32 $0x1C00, s19;
	s18 =	sand.u32 $0x70, s20  }
0x6d: {  	s20 =	sadd.s32 $0x10, s20;
	s18 =	sor.u32 s18, s21;
	[tilespmem:s17+$0x0] =	vst v2  }
0x6e: {  	v2 =	vld [tilespmem:s18+$0x5180]  }
0x6f: {  	v3 =	vld [tilespmem:s18+$0x5100];
	_ =	sdelay $0x1  }
0x70: {  	v4 =	vld [tilespmem:s18+$0x5200];
	_ =	sdelay $0x1  }
0x71: {  	v5 =	vld [tilespmem:s18+$0x5280]  }
0x72: {  	v2 =	vadd.f32 v2, v3  }
0x73: {  	v3 =	vld [tilespmem:s18+$0x5300]  }
0x74: {  	v2 =	vadd.f32 v4, v2  }
0x75: {  	v56 =	vld [tilespmem:s18+$0x5380]  }
0x76: {  	v2 =	vadd.f32 v5, v2  }
0x77: {  	v57 =	vld [tilespmem:s18+$0x5400]  }
0x78: {  	v2 =	vadd.f32 v3, v2  }
0x79: {  	v3 =	vld [tilespmem:s18+$0x5480]  }
0x7a: {  	v2 =	vadd.f32 v56, v2  }
0x7b: {  	v58 =	vld [tilespmem:s18+$0x6500]  }
0x7c: {  	v2 =	vadd.f32 v57, v2  }
0x7d: {  	v59 =	vld [tilespmem:s18+$0x6580]  }
0x7e: {  	v2 =	vadd.f32 v3, v2  }
0x7f: {  	v3 =	vld [tilespmem:s18+$0x6600]  }
0x80: {  	v2 =	vadd.f32 v58, v2  }
0x81: {  	v60 =	vld [tilespmem:s18+$0x6680]  }
0x82: {  	v2 =	vadd.f32 v59, v2  }
0x83: {  	v61 =	vld [tilespmem:s18+$0x6700]  }
0x84: {  	v2 =	vadd.f32 v3, v2  }
0x85: {  	v3 =	vld [tilespmem:s18+$0x6780]  }
0x86: {  	v2 =	vadd.f32 v60, v2  }
0x87: {  	v62 =	vld [tilespmem:s18+$0x6800]  }
0x88: {  	v2 =	vadd.f32 v61, v2  }
0x89: {  	v63 =	vld [tilespmem:s18+$0x6880]  }
0x8a: {  	v2 =	vadd.f32 v3, v2;
	_ =	sdelay $0x1  }
0x8b: {  	v2 =	vadd.f32 v62, v2;
	_ =	sdelay $0x1  }
0x8c: {  	s2 =	sadd.s32 $0x1, s2;
	v2 =	vadd.f32 v63, v2  }
0x8d: {  	s17 =	sadd.s32 $0x10, s17;
	p0 =	sne.s32 s2, s7  }
.Ltmp3:
0x8e: {  	[tilespmem:s17+$0x0] =	vst v2;
	(pc) =	sbr.rel @p0 .LBB2_1-.Ltmp3, $4  }
0x8f: {  	[hbm4b:s6+s10] =	stream.strided.scatter [tilespmem:s16], [sflag:$0x1], $0x280, s15, s10, $0x38;
	[tilespmem:$0xA380] =	vst v63  }
0x90: {  	_ =	swait.ge [sflag:s8], $0x280  }
0x91: {  	[sflag:s8] =	ssyncset.done $0x0  }
0x92: {  	[sflag:s8] =	ssyncadd.s32 $0xFFFFFD80  }
0x93: {  	_ =	sfence.sel $0x180000  }
0x94: {  	[bflag:$0x0] =	sbarrier.arrive $0xFFFF  }
0x95: {  	p0 =	sne.s32 s1, $0x0;
	_ =	strace $0x90000047  }
0x96: {  	s0 =	sadd.s32 @!p0 $0x100000, s0;
	[bflag:$0x2] =	sbarrier.arrive $0xFFFF  }
0x97: {  	[sflag:s0] =	ssyncadd.tile.s32 @!p0 $0x1;
	_ =	shalt  }
.Lfunc_end2:
_tile_overlayer_lowered:
.L_overlay_start_2:
0x98: {  	(tag) =	ssettag $0x2  }
0x99: {  	s0 =	rddreg [dreg:$0x0];
	s2 =	stileid.u32  }
0x9a: {  	s1 =	rddreg [dreg:$0x1];
	p0 =	sne.s32 s2, $0x0  }
0x9b: {  	s3 =	rddreg [dreg:$0x2];
	[bflag:$0x3] =	sbarrier.arrive $0xFFFF;
	s2 =	simm.s32 @!p0 $0x1C01  }
0x9c: {  	[timem:s3], [sflag:s2] =	dma.local @!p0 [hbm:s0], s1  }
0x9d: {  	s0 =	simm.s32 @!p0 $0x1  }
0x9e: {  	_ =	swait.ge @!p0 [sflag:s0], s1  }
0x9f: {  	s1 =	ssub.s32 @!p0 $0x0, s1;
	[sflag:s0] =	ssyncset.done @!p0 $0x0  }
0xa0: {  	[sflag:s0] =	ssyncadd.s32 @!p0 s1  }
0xa1: {  	[bflag:$0x3] =	sbarrier.arrive $0xFFFF  }
0xa2: {  	_ =	shalt  }

// kernel: kernel.9.cloned.1.call-start
scs
__scs_entry_jumppad:
0x0: {  	(pc) =	sbr.rel $0x88, $3  }
0x1: {  	(tag) =	ssettag $0x0;
	lr =	simm.s32 $0x1  }
0x2: {  	[smem:$0x3F9D] =	sst lr;
	_ =	strace $0xD0000000  }
0x3: {  	_ = 	snop  }
0x4: {  	_ = 	snop  }
0x5: {  	_ = 	snop  }
0x6: {  	_ = 	snop  }
0x7: {  	_ = 	snop  }
__scs_overlays_trampoline_lowered:
0x8: {  	[smem:$0x3FAC] =	sst s0  }
0x9: {  	[smem:$0x3FAD] =	sst s1  }
0xa: {  	[smem:$0x3FAE] =	sst s2  }
0xb: {  	[smem:$0x3FAF] =	sst s3  }
0xc: {  	[smem:$0x3FB0] =	sst s4  }
0xd: {  	[smem:$0x3FB1] =	sst s5  }
0xe: {  	[smem:$0x3FB2] =	sst s6  }
0xf: {  	[smem:$0x3FB3] =	sst s7  }
0x10: {  	[smem:$0x3FB4] =	sst s8  }
0x11: {  	[smem:$0x3FB5] =	sst s9;
	s0 =	simm.s32 @!p0 $0x0  }
0x12: {  	s1 =	sld [smem:$0x3F9B];
	s0 =	simm.s32 @p0 $0x1  }
0x13: {  	[smem:$0x3FB6] =	sst s0;
	s0 =	simm.s32 @!p1 $0x0  }
0x14: {  	s2 =	sld [smem:$0x3F9A];
	s0 =	simm.s32 @p1 $0x1  }
0x15: {  	[smem:$0x3FB7] =	sst s0;
	s0 =	simm.s32 @!p2 $0x0  }
0x16: {  	s3 =	sld [smem:$0x3FDB];
	s0 =	simm.s32 @p2 $0x1  }
0x17: {  	s4 =	simm.s32 $0x1BF5;
	[smem:$0x3FB9] =	sst s0  }
0x18: {  	s0 =	sld [smem:$0x3F9C];
	_ =	swait.ge [sflag:s4], $0x0  }
0x19: {  	s7 =	sld [smem:$0x3F9D]  }
0x1a: {  	s8 =	sadd.s32 $0xFFFFE003, lr  }
0x1b: {  	s9 =	sadd.s32 $0xFFFFFEF7, lr;
	s5 =	simm.s32 $0xFFFFFFFF;
	p2 =	slt.u32 s8, $0xFFFFF086  }
0x1c: {  	p1 =	slt.u32 s9, $0xF7A;
	s5 =	simm.s32 @!p2 $0x0  }
0x1d: {  	s5 =	simm.s32 @p1 $0x1;
	p0 =	seq.s32 s7, s2  }
0x1e: {  	s7 =	smul.u32 @!p0 $0xF7A, s2;
	p2 =	seq.s32 @!p0 s5, $0x0  }
0x1f: {  	s9 =	smul.u32 $0xF7A, s1;
	s8 =	simm.s32 @!p0 $0x1BF5;
	p2 =	por !p2, p0  }
0x20: {  	[sflag:s8] =	ssyncset.s32 @!p0 $0xFFFFF086;
	s6 =	sadd.s32 @!p0 s3, s7;
	s7 =	simm.s32 @!p0 $0x108  }
0x21: {  	s3 =	sadd.s32 s3, s9;
	s6 =	sadd.s32 @!p0 $0x88, s6;
	s7 =	simm.s32 @p2 $0x1082  }
0x22: {  	[simem:s7], [sflag:s8] =	dma.local @!p0 [hbm:s6], $0xF7A  }
0x23: {  	s9 =	sor.u32 $0xD0000000, s2;
	s6 =	simm.s32 $0x108;
	_ =	swait.ge @!p0 [sflag:s8], $0x0  }
0x24: {  	s3 =	sadd.s32 $0x88, s3;
	s6 =	simm.s32 @!p1 $0x1082;
	[sflag:s4] =	ssyncset.s32 $0xFFFFF086  }
0x25: {  	[simem:s6], [sflag:s4] =	dma.local [hbm:s3], $0xF7A  }
0x26: {  	[smem:$0x3F9D] =	sst s1;
	(tag) =	ssettag s2;
	_ =	strace s9  }
0x27: {  	s1 =	sld [smem:$0x3FAD]  }
0x28: {  	s2 =	sld [smem:$0x3FAE]  }
0x29: {  	s4 =	sld [smem:$0x3FB0]  }
0x2a: {  	p0 =	seq.s32 s5, $0x0;
	s5 =	sld [smem:$0x3FB1]  }
0x2b: {  	s6 =	sld [smem:$0x3FB2]  }
0x2c: {  	s7 =	sld [smem:$0x3FB3]  }
0x2d: {  	s3 =	simm.s32 $0x108;
	s8 =	sld [smem:$0x3FB4]  }
0x2e: {  	s3 =	simm.s32 @!p0 $0x1082;
	s9 =	sld [smem:$0x3FB5]  }
0x2f: {  	lr =	sadd.s32 s0, s3;
	s0 =	sld [smem:$0x3FAC]  }
0x30: {  	s3 =	sld [smem:$0x3FAF]  }
0x31: {  	[smem:$0x3FB8] =	sst s10  }
0x32: {  	s10 =	sld [smem:$0x3FB6];
	_ =	sdelay $0x3  }
0x33: {  	p0 =	seq.s32 s10, $0x1;
	s10 =	sld [smem:$0x3FB8];
	_ =	sdelay $0x3  }
0x34: {  	[smem:$0x3FB8] =	sst s10  }
0x35: {  	s10 =	sld [smem:$0x3FB7];
	_ =	sdelay $0x3  }
0x36: {  	p1 =	seq.s32 s10, $0x1;
	s10 =	sld [smem:$0x3FB8];
	_ =	sdelay $0x3  }
0x37: {  	[smem:$0x3FB8] =	sst s10  }
0x38: {  	s10 =	sld [smem:$0x3FB9]  }
0x39: {  	_ = 	snop;
	(pc) =	sbr.ind lr, $3  }
0x3a: {  	_ = 	snop  }
0x3b: {  	_ = 	snop  }
0x3c: {  	p2 =	seq.s32 s10, $0x1;
	s10 =	sld [smem:$0x3FB8]  }
0x3d: {  	_ =	shalt  }
0x3e: {  	_ =	shalt  }
0x3f: {  	_ =	shalt  }
0x40: {  	_ =	shalt  }
0x41: {  	_ =	shalt  }
0x42: {  	_ =	shalt  }
0x43: {  	_ =	shalt  }
0x44: {  	_ =	shalt  }
0x45: {  	_ =	shalt  }
0x46: {  	_ =	shalt  }
0x47: {  	_ =	shalt  }
0x48: {  	_ =	shalt  }
0x49: {  	_ =	shalt  }
0x4a: {  	_ =	shalt  }
0x4b: {  	_ =	shalt  }
0x4c: {  	_ =	shalt  }
0x4d: {  	_ =	shalt  }
0x4e: {  	_ =	shalt  }
0x4f: {  	_ =	shalt  }
0x50: {  	_ =	shalt  }
0x51: {  	_ =	shalt  }
0x52: {  	_ =	shalt  }
0x53: {  	_ =	shalt  }
0x54: {  	_ =	shalt  }
0x55: {  	_ =	shalt  }
0x56: {  	_ =	shalt  }
0x57: {  	_ =	shalt  }
0x58: {  	_ =	shalt  }
0x59: {  	_ =	shalt  }
0x5a: {  	_ =	shalt  }
0x5b: {  	_ =	shalt  }
0x5c: {  	_ =	shalt  }
0x5d: {  	_ =	shalt  }
0x5e: {  	_ =	shalt  }
0x5f: {  	_ =	shalt  }
0x60: {  	_ =	shalt  }
0x61: {  	_ =	shalt  }
0x62: {  	_ =	shalt  }
0x63: {  	_ =	shalt  }
0x64: {  	_ =	shalt  }
0x65: {  	_ =	shalt  }
0x66: {  	_ =	shalt  }
0x67: {  	_ =	shalt  }
0x68: {  	_ =	shalt  }
0x69: {  	_ =	shalt  }
0x6a: {  	_ =	shalt  }
0x6b: {  	_ =	shalt  }
0x6c: {  	_ =	shalt  }
0x6d: {  	_ =	shalt  }
0x6e: {  	_ =	shalt  }
0x6f: {  	_ =	shalt  }
0x70: {  	_ =	shalt  }
0x71: {  	_ =	shalt  }
0x72: {  	_ =	shalt  }
0x73: {  	_ =	shalt  }
0x74: {  	_ =	shalt  }
0x75: {  	_ =	shalt  }
0x76: {  	_ =	shalt  }
0x77: {  	_ =	shalt  }
0x78: {  	_ =	shalt  }
0x79: {  	_ =	shalt  }
0x7a: {  	_ =	shalt  }
0x7b: {  	_ =	shalt  }
0x7c: {  	_ =	shalt  }
0x7d: {  	_ =	shalt  }
0x7e: {  	_ =	shalt  }
0x7f: {  	_ =	shalt  }
0x80: {  	_ =	shalt  }
0x81: {  	_ =	shalt  }
0x82: {  	_ =	shalt  }
0x83: {  	_ =	shalt  }
0x84: {  	_ =	shalt  }
0x85: {  	_ =	shalt  }
0x86: {  	_ =	shalt  }
0x87: {  	_ =	shalt  }
.Lfunc_end0:
.L_simem_size_0:
called_computation.1_lowered:
.L_overlay_start_0:
0x88: {  	s2 =	sld [smem:$0x3FD9]  }
0x89: {  	s3 =	sld [smem:$0x3FFE];
	_ =	sdelay $0x1  }
0x8a: {  	s1 =	srdreg.scid  }
0x8b: {  	s0 =	sand.u32 $0x1, s1  }
0x8c: {  	s17 =	sshll.u32 s0, $0xA;
	s2 =	sadd.s32 s3, s2  }
0x8d: {  	s2 =	sadd.s32 s2, s17  }
0x8e: {  	[smem:$0x3FC4] =	sst s2  }
0x8f: {  	_ = 	snop  }
0x90: {  	s2 =	sld [smem:$0x3FD0];
	(tm) =	ssettm $0x1  }
0x91: {  	s18 =	sld [smem:$0x3FFB];
	_ =	sdelay $0x3  }
0x92: {  	_ =	strace s18  }
0x93: {  	s3 =	sld [smem:$0x3FFC];
	_ =	sdelay $0x3  }
0x94: {  	_ =	strace s3  }
0x95: {  	s3 =	sld [smem:$0x3FFD];
	_ =	sdelay $0x3  }
0x96: {  	_ =	strace s3  }
0x97: {  	_ =	strace $0x8FFFFFFF  }
0x98: {  	s19 =	sld [smem:$0x3FDB];
	_ =	sdelay $0x1  }
0x99: {  	s4 =	simm.s32 $_scs_section_size  }
0x9a: {  	s5 =	simm.s32 $_size__tile_overlayer_lowered;
	s6 =	simm.s32 $_tile_overlayer_lowered  }
0x9b: {  	s22 =	simm.s32 $0x1BFF;
	s21 =	sshll.u32 s6, $0x1;
	s3 =	sadd.s32 s4, s19  }
0x9c: {  	s7 =	simm.s32 $0x0;
	s20 =	sshll.u32 s5, $0x1;
	s5 =	sadd.s32 s21, s3  }
0x9d: {  	[timem:s7], [sflag:s22] =	dma.local [hbm:s5], s20  }
0x9e: {  	_ =	swait.ge [sflag:s22], s20  }
0x9f: {  	s4 =	ssub.s32 $0x0, s20;
	[sflag:s22] =	ssyncset.done $0x0  }
0xa0: {  	[sflag:s22] =	ssyncadd.s32 s4;
	_ =	sdelay $0x1  }
0xa1: {  	s23 =	simm.s32 $0x1B8B  }
0xa2: {  	_ =	swait.ge [sflag:s23], $0x1  }
0xa3: {  	[sflag:s23] =	ssyncset.done $0x0  }
0xa4: {  	s25 =	simm.s32 $0x1B8E;
	s24 =	sld [smem:$0x3FFE];
	[sflag:s23] =	ssyncadd.s32 $0xFFFFFFFF  }
0xa5: {  	s26 =	simm.s32 $execute0_lowered;
	[smem:$0x3FD2] =	sst s25  }
0xa6: {  	s5 =	sshll.u32 s26, $0x1;
	_ =	strace $0x80000049;
	[dreg:$0x1] =	wrdreg $0xFFFFFFFF  }
0xa7: {  	s28 =	simm.s32 $_size_execute0_lowered;
	s3 =	sadd.s32 s3, s5;
	[dreg:$0x0] =	wrdreg $0x0  }
0xa8: {  	s5 =	sshll.u32 s28, $0x1;
	[dreg:$0x2] =	wrdreg s3  }
0xa9: {  	[dreg:$0x3] =	wrdreg s5  }
0xaa: {  	[dreg:$0x4] =	wrdreg $0xC0  }
0xab: {  	_ =	task [dreg:s7], $0x5FFFF  }
0xac: {  	[dreg:$0x1] =	wrdreg $0xFFFFFFFF  }
0xad: {  	[dreg:$0x0] =	wrdreg $0x60  }
0xae: {  	[dreg:$0x2] =	wrdreg s24  }
0xaf: {  	[dreg:$0x3] =	wrdreg s2  }
0xb0: {  	[dreg:$0x4] =	wrdreg $0xB0000  }
0xb1: {  	[dreg:$0x5] =	wrdreg $0x9  }
0xb2: {  	_ =	task.clear_ibuf [dreg:s7], $0x6FFFF;
	_ =	strace $0x90000049  }
0xb3: {  	s29 =	simm.s32 $0x9;
	_ =	strace $0x8000004B  }
0xb4: {  	_ =	swait.ge [sflag:s29], $0x1  }
0xb5: {  	[sflag:s29] =	ssyncadd.s32 $0xFFFFFFFF  }
0xb6: {  	_ =	strace $0x9000004B  }
0xb7: {  	_ =	sfence  }
0xb8: {  	s30 =	sld [smem:$0x0];
	_ =	sdelay $0x2  }
0xb9: {  	s31 =	sshll.u32 s1, $0xD;
	s1 =	sshrl.u32 s1, $0x2  }
0xba: {  	s3 =	sand.u32 $0x4000, s31;
	s1 =	sadd.s32 s1, s30  }
0xbb: {  	s0 =	sor.u32 s3, s0;
	s1 =	sshll.u32 s1, $0x11  }
0xbc: {  	s0 =	sor.u32 s1, s0  }
0xbd: {  	s0 =	sadd.s32 $0x8F2B, s0  }
0xbe: {  	[sflag:s0] =	ssyncadd.remote.s32 $0x1  }
0xbf: {  	_ =	sfence.sel $0xFFFF  }
0xc0: {  	[dreg:$0x0] =	wrdreg $0xFFFFFFFF;
	(pc) =	sbr.abs _section_cstart, $3  }
0xc1: {  	[dreg:$0x1] =	wrdreg $0xFFFFFFFF  }
0xc2: {  	_ =	task.clear_ibuf [dreg:s7], $0x2FFFF;
	_ =	strace $0x9FFFFFFF  }
0xc3: {  	(tm) =	ssettm $0x7FFFFFFF  }
tec
execute0_lowered:
.L_overlay_start_1:
0x0: {  	(tag) =	ssettag $0x1  }
0x1: {  	s6 =	rddreg [dreg:$0x0]  }
0x2: {  	s1 =	rddreg [dreg:$0x1]  }
0x3: {  	s2 =	rddreg [dreg:$0x2]  }
0x4: {  	s3 =	srdreg.scid;
	s0 =	rddreg [dreg:$0x3];
	s4 =	simm.s32 $0x0  }
0x5: {  	s17 =	simm.s32 $0x2;
	s18 =	simm.s32 $0x1800;
	s19 =	simm.s32 $0x80  }
0x6: {  	s20 =	simm.s32 $0x1;
	s21 =	simm.s32 $0x7000;
	s5 =	sand.u32 $0x1, s3  }
0x7: {  	s22 =	simm.s32 $0x2C00;
	s3 =	stileid.u32;
	s7 =	smul.u32 $0x140000, s5  }
0x8: {  	[smem:$0x7FF] =	sst s4;
	s12 =	sadd.s32 $0xDC00, s6;
	s8 =	smul.u32 $0x14000, s3  }
0x9: {  	s13 =	sadd.s32 $0x1C00, s6;
	s29 =	smul.u32 $0x50000, s3;
	s9 =	sshll.u32 s5, $0x4  }
0xa: {  	_ =	strace $0x8000004A;
	s10 =	ssub.s32 $0x2, s5;
	s9 =	sor.u32 s3, s9  }
0xb: {  	s31 =	sshrl.u32 s10, $0x1;
	s7 =	sadd.s32 s8, s7;
	s30 =	sshrl.u32 s29, $0x2  }
0xc: {  	s9 =	smul.u32 $0x3000, s9;
	s15 =	ssub.s32 s10, s31;
	s7 =	sshrl.u32 s7, $0x3  }
0xd: {  	s5 =	sadd.s32 s30, s2;
	s15 =	smax.u32 s15, $0x1;
	s14 =	sadd.s32 s7, s6  }
0xe: {  	s6 =	sadd.s32 $0x4000, s5;
	s7 =	sadd.s32 $0x8000, s5;
	s11 =	sshrl.u32 s9, $0x3  }
0xf: {  	s8 =	sadd.s32 $0xC000, s5;
	s9 =	sadd.s32 $0x10000, s5;
	s10 =	sadd.s32 s12, s11  }
0x10: {  	s16 =	sadd.s32 $0x300, s11;
	s11 =	sadd.s32 s13, s11;
	s14 =	sadd.s32 $0x19C00, s14  }
0x11: {  	v0 =	vimm.f32 $0.0e+00;
	s12 =	sadd.s32 s12, s16;
	s13 =	sadd.s32 s13, s16;
	s16 =	simm.s32 $0x3000  }
.LBB2_1:
0x12: {  	s23 =	simm.s32 $0x0;
	s24 =	simm.s32 $0x200  }
.LBB2_2:
0x13: {  	p0 =	sne.s32 s24, $0xFE00;
	[tilespmem:s23+$0x3070] =	vst v0  }
0x14: {  	[tilespmem:s23+$0x3000] =	vst v0  }
0x15: {  	[tilespmem:s23+$0x3010] =	vst v0  }
.Ltmp0:
0x16: {  	[tilespmem:s23+$0x3020] =	vst v0;
	(pc) =	sbr.rel @p0 .LBB2_2-.Ltmp0, $4  }
0x17: {  	[tilespmem:s23+$0x3030] =	vst v0  }
0x18: {  	[tilespmem:s23+$0x3040] =	vst v0  }
0x19: {  	[tilespmem:s23+$0x3050] =	vst v0  }
0x1a: {  	[tilespmem:s23+$0x3060] =	vst v0;
	s23 =	sshra.s32 s24, $0x2;
	s24 =	sadd.s32 $0x200, s24  }
0x1b: {  	[tilespmem:s23+$0x3070] =	vst v0  }
0x1c: {  	[tilespmem:s23+$0x3000] =	vst v0  }
0x1d: {  	[tilespmem:s23+$0x3010] =	vst v0  }
0x1e: {  	[tilespmem:s23+$0x3020] =	vst v0  }
0x1f: {  	[tilespmem:s23+$0x3030] =	vst v0  }
0x20: {  	[tilespmem:s23+$0x3040] =	vst v0  }
0x21: {  	[tilespmem:s23+$0x3050] =	vst v0  }
0x22: {  	[tilespmem:s23+$0x3060] =	vst v0  }
0x23: {  	[spmem:s5] =	stream.linear.scatter [tilespmem:s16], [sflag:$0x2], $0x4000, $0x38;
	[tilespmem:$0x1F000] =	vst v63  }
0x24: {  	_ =	swait.ge [sflag:s17], $0x4000  }
0x25: {  	[sflag:s17] =	ssyncset.done $0x0  }
0x26: {  	[sflag:s17] =	ssyncadd.s32 $0xFFFFC000  }
0x27: {  	[spmem:s6] =	stream.linear.scatter [tilespmem:s16], [sflag:$0x2], $0x4000, $0x38;
	[tilespmem:$0x1F000] =	vst v63  }
0x28: {  	_ =	swait.ge [sflag:s17], $0x4000  }
0x29: {  	[sflag:s17] =	ssyncset.done $0x0  }
0x2a: {  	[sflag:s17] =	ssyncadd.s32 $0xFFFFC000  }
0x2b: {  	[spmem:s7] =	stream.linear.scatter [tilespmem:s16], [sflag:$0x2], $0x4000, $0x38;
	[tilespmem:$0x1F000] =	vst v63  }
0x2c: {  	_ =	swait.ge [sflag:s17], $0x4000  }
0x2d: {  	[sflag:s17] =	ssyncset.done $0x0  }
0x2e: {  	[sflag:s17] =	ssyncadd.s32 $0xFFFFC000  }
0x2f: {  	[spmem:s8] =	stream.linear.scatter [tilespmem:s16], [sflag:$0x2], $0x4000, $0x38;
	[tilespmem:$0x1F000] =	vst v63  }
0x30: {  	_ =	swait.ge [sflag:s17], $0x4000  }
0x31: {  	[sflag:s17] =	ssyncset.done $0x0  }
0x32: {  	[sflag:s17] =	ssyncadd.s32 $0xFFFFC000  }
0x33: {  	[spmem:s9] =	stream.linear.scatter [tilespmem:s16], [sflag:$0x2], $0x4000, $0x38;
	[tilespmem:$0x1F000] =	vst v63  }
0x34: {  	_ =	swait.ge [sflag:s17], $0x4000  }
0x35: {  	[sflag:s17] =	ssyncset.done $0x0  }
0x36: {  	[sflag:s17] =	ssyncadd.s32 $0xFFFFC000  }
0x37: {  	s26 =	simm.s32 $0x0;
	[bflag:$0x0] =	sbarrier.arrive $0xFFFF  }
0x38: {  	[tilespmem:s26], [sflag:$0x2] =	stream.linear.gather [hbm4b:s10+s26], $0x1480, $0x38;
	[tilespmem:$0x1F000] =	vst v63  }
0x39: {  	_ =	swait.ge [sflag:s17], $0x1480  }
0x3a: {  	[sflag:s17] =	ssyncset.done $0x0  }
0x3b: {  	[sflag:s17] =	ssyncadd.s32 $0xFFFFEB80  }
0x3c: {  	[tilespmem:s18], [sflag:$0x2] =	stream.linear.gather [hbm4b:s11+s26], $0x1480, $0x38;
	[tilespmem:$0x1F000] =	vst v63  }
0x3d: {  	_ =	swait.ge [sflag:s17], $0x1480  }
0x3e: {  	[sflag:s17] =	ssyncset.done $0x0  }
0x3f: {  	[sflag:s17] =	ssyncadd.s32 $0xFFFFEB80  }
0x40: {  	[tilespmem:s16], [sflag:$0x1] =	stream.indirect.gather [hbm4b:s1+s19], $0x80, s26, s19, $0xb8;
	[tilespmem:$0x1F000] =	vst v63  }
0x41: {  	_ =	swait.ge [sflag:s20], $0x4000  }
0x42: {  	[sflag:s20] =	ssyncset.done $0x0  }
0x43: {  	s28 =	simm.s32 $0x80;
	[sflag:s20] =	ssyncadd.s32 $0xFFFFC000  }
0x44: {  	[tilespmem:s21], [sflag:$0x1] =	stream.indirect.gather [hbm4b:s1+s19], $0x80, s28, s19, $0xb8;
	[tilespmem:$0x1F000] =	vst v63  }
0x45: {  	s29 =	simm.s32 $0x1800  }
0x46: {  	[spmem:s2] =	stream.indirect.scatter.add.f32 [tilespmem:s16], [sflag:$0x2], $0x80, s29, s19, $0xb8;
	[tilespmem:$0x1F000] =	vst v63  }
0x47: {  	_ =	swait.ge [sflag:s17], $0x4000  }
0x48: {  	[sflag:s17] =	ssyncset.done $0x0  }
0x49: {  	[sflag:s17] =	ssyncadd.s32 $0xFFFFC000  }
0x4a: {  	_ =	swait.ge [sflag:s20], $0x4000  }
0x4b: {  	[sflag:s20] =	ssyncset.done $0x0  }
0x4c: {  	s30 =	simm.s32 $0x100;
	[sflag:s20] =	ssyncadd.s32 $0xFFFFC000  }
0x4d: {  	[tilespmem:s16], [sflag:$0x1] =	stream.indirect.gather [hbm4b:s1+s19], $0x80, s30, s19, $0xb8;
	[tilespmem:$0x1F000] =	vst v63  }
0x4e: {  	s31 =	simm.s32 $0x1880  }
0x4f: {  	[spmem:s2] =	stream.indirect.scatter.add.f32 [tilespmem:s21], [sflag:$0x2], $0x80, s31, s19, $0xb8;
	[tilespmem:$0x1F000] =	vst v63  }
0x50: {  	_ =	swait.ge [sflag:s17], $0x4000  }
0x51: {  	s23 =	simm.s32 $0x400;
	[sflag:s17] =	ssyncset.done $0x0  }
.LBB2_4:
0x52: {  	p0 =	sne.s32 s23, $0x4C00  }
0x53: {  	[sflag:s17] =	ssyncadd.s32 $0xFFFFC000;
	s24 =	smov.u32 s23;
	s23 =	sadd.s32 $0x400, s23  }
0x54: {  	_ = 	snop  }
0x55: {  	_ =	swait.ge [sflag:s20], $0x4000  }
0x56: {  	s24 =	sshra.s32 s24, $0x2;
	[sflag:s20] =	ssyncset.done $0x0  }
0x57: {  	s25 =	sadd.s32 $0x80, s24;
	[sflag:s20] =	ssyncadd.s32 $0xFFFFC000  }
0x58: {  	[tilespmem:s21], [sflag:$0x1] =	stream.indirect.gather [hbm4b:s1+s19], $0x80, s25, s19, $0xb8;
	[tilespmem:$0x1F000] =	vst v63  }
0x59: {  	s25 =	sadd.s32 $0x1800, s24  }
0x5a: {  	[spmem:s2] =	stream.indirect.scatter.add.f32 [tilespmem:s16], [sflag:$0x2], $0x80, s25, s19, $0xb8;
	[tilespmem:$0x1F000] =	vst v63  }
0x5b: {  	_ =	swait.ge [sflag:s17], $0x4000  }
0x5c: {  	[sflag:s17] =	ssyncset.done $0x0  }
0x5d: {  	[sflag:s17] =	ssyncadd.s32 $0xFFFFC000  }
0x5e: {  	_ =	swait.ge [sflag:s20], $0x4000  }
0x5f: {  	[sflag:s20] =	ssyncset.done $0x0  }
0x60: {  	s25 =	sadd.s32 $0x100, s24;
	[sflag:s20] =	ssyncadd.s32 $0xFFFFC000  }
0x61: {  	[tilespmem:s16], [sflag:$0x1] =	stream.indirect.gather [hbm4b:s1+s19], $0x80, s25, s19, $0xb8;
	[tilespmem:$0x1F000] =	vst v63  }
.Ltmp1:
0x62: {  	_ = 	snop;
	(pc) =	sbr.rel @p0 .LBB2_4-.Ltmp1, $4  }
0x63: {  	s24 =	sadd.s32 $0x1880, s24  }
0x64: {  	[spmem:s2] =	stream.indirect.scatter.add.f32 [tilespmem:s21], [sflag:$0x2], $0x80, s24, s19, $0xb8;
	[tilespmem:$0x1F000] =	vst v63  }
0x65: {  	_ =	swait.ge [sflag:s17], $0x4000  }
0x66: {  	[sflag:s17] =	ssyncset.done $0x0  }
0x67: {  	[sflag:s17] =	ssyncadd.s32 $0xFFFFC000  }
0x68: {  	_ =	swait.ge [sflag:s20], $0x4000  }
0x69: {  	[sflag:s20] =	ssyncset.done $0x0  }
0x6a: {  	[sflag:s20] =	ssyncadd.s32 $0xFFFFC000  }
0x6b: {  	[spmem:s2] =	stream.indirect.scatter.add.f32 [tilespmem:s16], [sflag:$0x2], $0x80, s22, s19, $0xb8;
	[tilespmem:$0x1F000] =	vst v63  }
0x6c: {  	_ =	swait.ge [sflag:s17], $0x4000  }
0x6d: {  	[sflag:s17] =	ssyncset.done $0x0  }
0x6e: {  	s23 =	simm.s32 $0x0;
	[sflag:s17] =	ssyncadd.s32 $0xFFFFC000  }
0x6f: {  	[tilespmem:s23], [sflag:$0x2] =	stream.linear.gather [hbm4b:s12+s23], $0x1480, $0x38;
	[tilespmem:$0x1F000] =	vst v63  }
0x70: {  	_ =	swait.ge [sflag:s17], $0x1480  }
0x71: {  	[sflag:s17] =	ssyncset.done $0x0  }
0x72: {  	[sflag:s17] =	ssyncadd.s32 $0xFFFFEB80  }
0x73: {  	[tilespmem:s18], [sflag:$0x2] =	stream.linear.gather [hbm4b:s13+s23], $0x1480, $0x38;
	[tilespmem:$0x1F000] =	vst v63  }
0x74: {  	_ =	swait.ge [sflag:s17], $0x1480  }
0x75: {  	[sflag:s17] =	ssyncset.done $0x0  }
0x76: {  	[sflag:s17] =	ssyncadd.s32 $0xFFFFEB80  }
0x77: {  	[tilespmem:s16], [sflag:$0x1] =	stream.indirect.gather [hbm4b:s1+s19], $0x80, s23, s19, $0xb8;
	[tilespmem:$0x1F000] =	vst v63  }
0x78: {  	_ =	swait.ge [sflag:s20], $0x4000  }
0x79: {  	[sflag:s20] =	ssyncset.done $0x0  }
0x7a: {  	s28 =	simm.s32 $0x80;
	[sflag:s20] =	ssyncadd.s32 $0xFFFFC000  }
0x7b: {  	[tilespmem:s21], [sflag:$0x1] =	stream.indirect.gather [hbm4b:s1+s19], $0x80, s28, s19, $0xb8;
	[tilespmem:$0x1F000] =	vst v63  }
0x7c: {  	s29 =	simm.s32 $0x1800  }
0x7d: {  	[spmem:s2] =	stream.indirect.scatter.add.f32 [tilespmem:s16], [sflag:$0x2], $0x80, s29, s19, $0xb8;
	[tilespmem:$0x1F000] =	vst v63  }
0x7e: {  	_ =	swait.ge [sflag:s17], $0x4000  }
0x7f: {  	[sflag:s17] =	ssyncset.done $0x0  }
0x80: {  	[sflag:s17] =	ssyncadd.s32 $0xFFFFC000  }
0x81: {  	_ =	swait.ge [sflag:s20], $0x4000  }
0x82: {  	[sflag:s20] =	ssyncset.done $0x0  }
0x83: {  	s30 =	simm.s32 $0x100;
	[sflag:s20] =	ssyncadd.s32 $0xFFFFC000  }
0x84: {  	[tilespmem:s16], [sflag:$0x1] =	stream.indirect.gather [hbm4b:s1+s19], $0x80, s30, s19, $0xb8;
	[tilespmem:$0x1F000] =	vst v63  }
0x85: {  	s31 =	simm.s32 $0x1880  }
0x86: {  	[spmem:s2] =	stream.indirect.scatter.add.f32 [tilespmem:s21], [sflag:$0x2], $0x80, s31, s19, $0xb8;
	[tilespmem:$0x1F000] =	vst v63  }
0x87: {  	_ =	swait.ge [sflag:s17], $0x4000  }
0x88: {  	s23 =	simm.s32 $0x400;
	[sflag:s17] =	ssyncset.done $0x0  }
.LBB2_6:
0x89: {  	p0 =	sne.s32 s23, $0x4C00  }
0x8a: {  	[sflag:s17] =	ssyncadd.s32 $0xFFFFC000;
	s24 =	smov.u32 s23;
	s23 =	sadd.s32 $0x400, s23  }
0x8b: {  	_ = 	snop  }
0x8c: {  	_ =	swait.ge [sflag:s20], $0x4000  }
0x8d: {  	s24 =	sshra.s32 s24, $0x2;
	[sflag:s20] =	ssyncset.done $0x0  }
0x8e: {  	s25 =	sadd.s32 $0x80, s24;
	[sflag:s20] =	ssyncadd.s32 $0xFFFFC000  }
0x8f: {  	[tilespmem:s21], [sflag:$0x1] =	stream.indirect.gather [hbm4b:s1+s19], $0x80, s25, s19, $0xb8;
	[tilespmem:$0x1F000] =	vst v63  }
0x90: {  	s25 =	sadd.s32 $0x1800, s24  }
0x91: {  	[spmem:s2] =	stream.indirect.scatter.add.f32 [tilespmem:s16], [sflag:$0x2], $0x80, s25, s19, $0xb8;
	[tilespmem:$0x1F000] =	vst v63  }
0x92: {  	_ =	swait.ge [sflag:s17], $0x4000  }
0x93: {  	[sflag:s17] =	ssyncset.done $0x0  }
0x94: {  	[sflag:s17] =	ssyncadd.s32 $0xFFFFC000  }
0x95: {  	_ =	swait.ge [sflag:s20], $0x4000  }
0x96: {  	[sflag:s20] =	ssyncset.done $0x0  }
0x97: {  	s25 =	sadd.s32 $0x100, s24;
	[sflag:s20] =	ssyncadd.s32 $0xFFFFC000  }
0x98: {  	[tilespmem:s16], [sflag:$0x1] =	stream.indirect.gather [hbm4b:s1+s19], $0x80, s25, s19, $0xb8;
	[tilespmem:$0x1F000] =	vst v63  }
.Ltmp2:
0x99: {  	_ = 	snop;
	(pc) =	sbr.rel @p0 .LBB2_6-.Ltmp2, $4  }
0x9a: {  	s24 =	sadd.s32 $0x1880, s24  }
0x9b: {  	[spmem:s2] =	stream.indirect.scatter.add.f32 [tilespmem:s21], [sflag:$0x2], $0x80, s24, s19, $0xb8;
	[tilespmem:$0x1F000] =	vst v63  }
0x9c: {  	_ =	swait.ge [sflag:s17], $0x4000  }
0x9d: {  	[sflag:s17] =	ssyncset.done $0x0  }
0x9e: {  	[sflag:s17] =	ssyncadd.s32 $0xFFFFC000  }
0x9f: {  	_ =	swait.ge [sflag:s20], $0x4000  }
0xa0: {  	[sflag:s20] =	ssyncset.done $0x0  }
0xa1: {  	[sflag:s20] =	ssyncadd.s32 $0xFFFFC000  }
0xa2: {  	[spmem:s2] =	stream.indirect.scatter.add.f32 [tilespmem:s16], [sflag:$0x2], $0x80, s22, s19, $0xb8;
	[tilespmem:$0x1F000] =	vst v63  }
0xa3: {  	_ =	swait.ge [sflag:s17], $0x4000  }
0xa4: {  	s23 =	sshll.u32 s3, $0x6;
	s4 =	sadd.s32 $0x1, s4;
	[sflag:s17] =	ssyncset.done $0x0  }
0xa5: {  	s24 =	sshrl.u32 s5, $0x3;
	p0 =	sne.s32 s4, s15;
	[sflag:s17] =	ssyncadd.s32 $0xFFFFC000  }
.Ltmp3:
0xa6: {  	s23 =	sor.u32 $0x1C02, s23;
	[bflag:$0x0] =	sbarrier.arrive $0xFFFF;
	(pc) =	sbr.rel @p0 .LBB2_1-.Ltmp3, $4  }
0xa7: {  	[hbm:s14], [sflag:s23] =	dma.local [spmem:s24], $0x2800  }
0xa8: {  	_ =	swait.ge [sflag:s17], $0x2800  }
0xa9: {  	[sflag:s17] =	ssyncset.done $0x0  }
0xaa: {  	[sflag:s17] =	ssyncadd.s32 $0xFFFFD800  }
0xab: {  	_ =	sfence.sel $0x180000  }
0xac: {  	[bflag:$0x0] =	sbarrier.arrive $0xFFFF  }
0xad: {  	p0 =	sne.s32 s3, $0x0;
	_ =	strace $0x9000004A  }
0xae: {  	s0 =	sadd.s32 @!p0 $0x100000, s0;
	[bflag:$0x2] =	sbarrier.arrive $0xFFFF  }
0xaf: {  	[sflag:s0] =	ssyncadd.tile.s32 @!p0 $0x1;
	_ =	shalt  }
.Lfunc_end2:
_tile_overlayer_lowered:
.L_overlay_start_2:
0xb0: {  	(tag) =	ssettag $0x2  }
0xb1: {  	s0 =	rddreg [dreg:$0x0];
	s2 =	stileid.u32  }
0xb2: {  	s1 =	rddreg [dreg:$0x1];
	p0 =	sne.s32 s2, $0x0  }
0xb3: {  	s3 =	rddreg [dreg:$0x2];
	[bflag:$0x3] =	sbarrier.arrive $0xFFFF;
	s2 =	simm.s32 @!p0 $0x1C02  }
0xb4: {  	[timem:s3], [sflag:s2] =	dma.local @!p0 [hbm:s0], s1  }
0xb5: {  	s0 =	simm.s32 @!p0 $0x2  }
0xb6: {  	_ =	swait.ge @!p0 [sflag:s0], s1  }
0xb7: {  	s1 =	ssub.s32 @!p0 $0x0, s1;
	[sflag:s0] =	ssyncset.done @!p0 $0x0  }
0xb8: {  	[sflag:s0] =	ssyncadd.s32 @!p0 s1  }
0xb9: {  	[bflag:$0x3] =	sbarrier.arrive $0xFFFF  }
0xba: {  	_ =	shalt  }

</sc_bundles>
